<compile_context>
chip_gen: v7x
topology: tpu7x:2x2x1
jax: 0.10.2.dev20260603
libtpu: 0.0.44.dev20260713+nightly
codegen_flags: <defaults>
</compile_context>

<pallas_src>
import functools

import jax
import jax.numpy as jnp
from jax.experimental import pallas as pl
from jax.experimental.pallas import tpu as pltpu
from jax.experimental.pallas import tpu_sc as plsc

_EARTH_R = 6371.0 * 1000.0
_N_OBS = 20000
_OBS_PAD = 20480
_BLKO = 256
_NSUB = _OBS_PAD // 8
_NL1 = _NSUB // 16
_KSEL = 64
_K = 50
_IMIN = jnp.iinfo(jnp.int32).min
_BIG = 2 ** 30

_NW = 32
_QPW = 2048 // _NW
_QB = 8


def _keys_kernel(ox_ref, oy_ref, oz_ref, qx_ref, qy_ref, qz_ref,
                 k1_ref, k2_ref, k3_ref):
    i = pl.program_id(0)
    dot = (ox_ref[...] * qx_ref[...]
           + oy_ref[...] * qy_ref[...]
           + oz_ref[...] * qz_ref[...])
    pos = jax.lax.broadcasted_iota(jnp.int32, dot.shape, 0) + i * _BLKO
    dot = jnp.where(pos < _N_OBS, dot, -3.0)
    key = jax.lax.bitcast_convert_type(dot + 2.0, jnp.int32)
    key = (key & ~7) | (7 - (pos & 7))
    kk = key.reshape(_BLKO // 8, 8, dot.shape[1])
    m1 = jnp.max(kk, axis=1)
    kk = jnp.where(kk == m1[:, None, :], _IMIN, kk)
    m2 = jnp.max(kk, axis=1)
    kk = jnp.where(kk == m2[:, None, :], _IMIN, kk)
    m3 = jnp.max(kk, axis=1)
    k1_ref[...] = m1
    k2_ref[...] = m2
    k3_ref[...] = m3


def _subgroup_keys(ox, oy, oz, qx, qy, qz):
    n_q = qx.shape[0]
    grid = (_OBS_PAD // _BLKO,)
    ospec = pl.BlockSpec((_BLKO, 1), lambda i: (i, 0))
    qspec = pl.BlockSpec((1, n_q), lambda i: (0, 0))
    kspec = pl.BlockSpec((_BLKO // 8, n_q), lambda i: (i, 0))
    return pl.pallas_call(
        _keys_kernel,
        grid=grid,
        in_specs=[ospec, ospec, ospec, qspec, qspec, qspec],
        out_specs=[kspec, kspec, kspec],
        out_shape=[jax.ShapeDtypeStruct((_NSUB, n_q), jnp.int32)] * 3,
    )(ox[:, None], oy[:, None], oz[:, None],
      qx[None, :], qy[None, :], qz[None, :])


def _sc_body(qpw, k1_hbm, k2_hbm, k3_hbm, l1_hbm, out_hbm,
             k1v, k2v, k3v, l1b, outb):
    c = jax.lax.axis_index("c")
    s = jax.lax.axis_index("s")
    wid = s * 2 + c
    lane = jax.lax.iota(jnp.int32, 16)

    def batch_body(b, _):
        qbase = wid * qpw + b * _QB
        pltpu.sync_copy(k1_hbm.at[pl.ds(qbase, _QB)], k1v)
        pltpu.sync_copy(k2_hbm.at[pl.ds(qbase, _QB)], k2v)
        pltpu.sync_copy(k3_hbm.at[pl.ds(qbase, _QB)], k3v)
        pltpu.sync_copy(l1_hbm.at[pl.ds(qbase, _QB)], l1b)

        def q_body(qi, _):
            l1s = tuple(l1b[qi, pl.ds(j * 16, 16)] for j in range(10))

            def ext_body(e, l1s):
                l2 = l1s[0]
                for j in range(1, 10):
                    l2 = jnp.maximum(l2, l1s[j])
                gmax = jnp.max(l2)
                cand = jnp.full((16,), _BIG, jnp.int32)
                for j in range(10):
                    cand = jnp.minimum(
                        cand, jnp.where(l1s[j] == gmax, j * 16 + lane, _BIG))
                i_star = jnp.min(cand)
                cv = k1v[qi, pl.ds(i_star * 16, 16)]
                l_star = jnp.min(jnp.where(cv == gmax, lane, _BIG))
                sg = i_star * 16 + l_star
                pos = sg * 8 + 7 - (gmax & 7)
                ob = (e // 16) * 16
                ov = outb[qi, pl.ds(ob, 16)]
                outb[qi, pl.ds(ob, 16)] = jnp.where(lane == e % 16, pos, ov)
                k2c = k2v[qi, pl.ds(i_star * 16, 16)]
                k3c = k3v[qi, pl.ds(i_star * 16, 16)]
                nv = jnp.where(cv == k3c, _IMIN, jnp.where(cv == k2c, k3c, k2c))
                cv2 = jnp.where(lane == l_star, nv, cv)
                k1v[qi, pl.ds(i_star * 16, 16)] = cv2
                nm = jnp.max(cv2)
                jj = i_star // 16
                ll = i_star % 16
                return tuple(
                    jnp.where((lane == ll) & (jj == j), nm, l1s[j])
                    for j in range(10))

            jax.lax.fori_loop(0, _KSEL, ext_body, l1s)
            return 0

        jax.lax.fori_loop(0, _QB, q_body, 0)
        pltpu.sync_copy(outb, out_hbm.at[pl.ds(qbase, _QB)])
        return 0

    jax.lax.fori_loop(0, _QPW // _QB, batch_body, 0)


def _sc_extract(k1t, k2t, k3t, l1t):
    n_q = k1t.shape[0]
    mesh = plsc.VectorSubcoreMesh(core_axis_name="c", subcore_axis_name="s",
                                  num_cores=2, num_subcores=16)
    kern = functools.partial(
        pl.kernel,
        mesh=mesh,
        compiler_params=pltpu.CompilerParams(needs_layout_passes=False),
        out_type=jax.ShapeDtypeStruct((n_q, _KSEL), jnp.int32),
        scratch_types=[
            pltpu.VMEM((_QB, _NSUB), jnp.int32),
            pltpu.VMEM((_QB, _NSUB), jnp.int32),
            pltpu.VMEM((_QB, _NSUB), jnp.int32),
            pltpu.VMEM((_QB, _NL1), jnp.int32),
            pltpu.VMEM((_QB, _KSEL), jnp.int32),
        ],
    )(functools.partial(_sc_body, n_q // _NW))
    return kern(k1t, k2t, k3t, l1t)


def _exact_haversine(lat1, lng1, lat2, lng2):
    dlat = lat2 - lat1
    dlng = lng2 - lng1
    a = jnp.sin(dlat / 2.0) ** 2 + jnp.cos(lat1) * jnp.cos(lat2) * jnp.sin(dlng / 2.0) ** 2
    a = jnp.clip(a, 1e-12, 1.0 - 1e-9)
    return 2.0 * jnp.arcsin(jnp.sqrt(a))


def kernel(X, obs_idx, lat, lng):
    q_lat = jnp.take(lat, X)
    q_lng = jnp.take(lng, X)
    o_lat = jnp.take(lat, obs_idx)
    o_lng = jnp.take(lng, obs_idx)

    def to3d(la, ln):
        cl = jnp.cos(la)
        return cl * jnp.cos(ln), cl * jnp.sin(ln), jnp.sin(la)

    qx, qy, qz = to3d(q_lat, q_lng)
    ox, oy, oz = to3d(o_lat, o_lng)
    pad = _OBS_PAD - _N_OBS
    ox = jnp.pad(ox, (0, pad))
    oy = jnp.pad(oy, (0, pad))
    oz = jnp.pad(oz, (0, pad))

    k1, k2, k3 = _subgroup_keys(ox, oy, oz, qx, qy, qz)
    k1t, k2t, k3t = k1.T, k2.T, k3.T
    l1t = jnp.max(k1t.reshape(-1, _NL1, 16), axis=2)
    cand = _sc_extract(k1t, k2t, k3t, l1t)

    c_lat = jnp.take(o_lat, cand)
    c_lng = jnp.take(o_lng, cand)
    d = _exact_haversine(q_lat[:, None], q_lng[:, None], c_lat, c_lng)
    d_s, i_s = jax.lax.sort((d, cand), dimension=-1, num_keys=2)
    return d_s[:, :_K] * _EARTH_R, i_s[:, :_K]

# --- scband reference (transcript-rebuilt; emitter-appended) ---
"""Pipeline reference for scband-knn-estimator-17154099381057 (READ-ONLY COPY).

The authoritative reference and input builder live on the scoring server;
editing this copy changes nothing except your own understanding.
"""

import jax, jax.numpy as jnp
import numpy as np

N_NODES = 100000
N_OBS = 20000
Q = 2048
K_NEIGHBORS = 50
EARTH_RADIUS_M = 6371.0 * 1000.0


def haversine(lat1, lng1, lat2, lng2):
    # haversine distance on the unit sphere (radians), matching sklearn's 'haversine' metric
    dlat = lat2 - lat1
    dlng = lng2 - lng1
    a = jnp.sin(dlat / 2.0) ** 2 + jnp.cos(lat1) * jnp.cos(lat2) * jnp.sin(dlng / 2.0) ** 2
    a = jnp.clip(a, 1e-12, 1.0 - 1e-9)
    return 2.0 * jnp.arcsin(jnp.sqrt(a))


def setup_inputs(seed: int = 0) -> dict:
    key = jax.random.key(seed)
    k1, k2, k3, k4 = jax.random.split(key, 4)
    # graph node coordinates in radians (these are the graph 'parameters' g.lat / g.lng)
    lat = jax.random.uniform(k1, (N_NODES,), minval=-jnp.pi / 2, maxval=jnp.pi / 2).astype(jnp.float32)
    lng = jax.random.uniform(k2, (N_NODES,), minval=-jnp.pi, maxval=jnp.pi).astype(jnp.float32)
    # observation node indices (the points the sklearn NearestNeighbors was fit on)
    obs_idx = jax.random.randint(k3, (N_OBS,), 0, N_NODES, dtype=jnp.int32)
    # query node indices X passed to get_kneighbors
    X = jax.random.randint(k4, (Q,), 0, N_NODES, dtype=jnp.int32)
    return {"X": X, "obs_idx": obs_idx, "lat": lat, "lng": lng}


def reference(X, obs_idx, lat, lng):
    # gather fitted observation coordinates
    o_lat = jnp.take(lat, obs_idx)[None, :]  # [1, K_obs]
    o_lng = jnp.take(lng, obs_idx)[None, :]

    n_q = X.shape[0]
    chunk = 256
    n_chunks = n_q // chunk

    def chunk_fn(x_chunk):
        # gather query coordinates: vstack([g.lat[X], g.lng[X]]).T
        q_lat = jnp.take(lat, x_chunk)[:, None]   # [chunk, 1]
        q_lng = jnp.take(lng, x_chunk)[:, None]
        # pairwise haversine distances [chunk, K_obs]
        d = haversine(q_lat, q_lng, o_lat, o_lng)
        # k nearest neighbors: smallest distances
        neg_d, indices = jax.lax.top_k(-d, K_NEIGHBORS)
        dists = (-neg_d) * EARTH_RADIUS_M  # dists * 6371 * 1000 (eval mode: no column drop)
        return dists, indices

    dists, indices = jax.lax.map(chunk_fn, X.reshape(n_chunks, chunk))
    return dists.reshape(n_q, K_NEIGHBORS), indices.reshape(n_q, K_NEIGHBORS)

if __name__ == "__main__":
    import jax
    _d = setup_inputs()
    print(jax.jit(kernel)(*tuple(_d.values())))

</pallas_src>

<mosaic_0001>
#map = affine_map<(d0, d1) -> (0, 0)>
module attributes {stable_mosaic.version = 14 : i64} {
  func.func @_sc_body(%arg0: i32, %arg1: i32, %arg2: memref<2048x2560xi32, #tpu.memory_space<hbm>>, %arg3: memref<2048x2560xi32, #tpu.memory_space<hbm>>, %arg4: memref<2048x2560xi32, #tpu.memory_space<hbm>>, %arg5: memref<2048x160xi32, #tpu.memory_space<hbm>>, %arg6: memref<2048x64xi32, #tpu.memory_space<hbm>>, %arg7: memref<8x2560xi32, #tpu.memory_space<vmem>>, %arg8: memref<8x2560xi32, #tpu.memory_space<vmem>>, %arg9: memref<8x2560xi32, #tpu.memory_space<vmem>>, %arg10: memref<8x160xi32, #tpu.memory_space<vmem>>, %arg11: memref<8x64xi32, #tpu.memory_space<vmem>>) attributes {dimension_semantics = [#tpu.dimension_semantics<core_parallel>, #tpu.dimension_semantics<subcore_parallel>], iteration_bounds = array<i64: 2, 16>, scalar_prefetch = 0 : i64, scratch_operands = 5 : i64, tpu.core_type = #tpu.core_type<sc_vector_subcore>, window_params = [{transform_indices = #map}, {transform_indices = #map}, {transform_indices = #map}, {transform_indices = #map}, {transform_indices = #map}]} {
    %mul3A = arith.constant 2 : i32
    %mul3A_0 = arith.muli %arg1, %mul3A : i32
    %add3A = arith.addi %mul3A_0, %arg0 : i32
    %iota3A = tpu.iota {dimensions = array<i32: 0>} : vector<16xi32>
    %scan3A = arith.constant 0 : i32
    %scan3A_1 = arith.constant 0 : i32
    %scan3A_2 = arith.constant 8 : i32
    %scan3A_3 = arith.addi %scan3A_1, %scan3A_2 : i32
    %scan3A_4 = arith.constant 1 : i32
    %scan3A_5 = scf.for %scan3A_7 = %scan3A_1 to %scan3A_3 step %scan3A_4 iter_args(%scan3A_8 = %scan3A) -> (i32)  : i32 {
      %mul3A_9 = arith.constant 64 : i32
      %mul3A_10 = arith.muli %add3A, %mul3A_9 : i32
      %mul3A_11 = arith.constant 8 : i32
      %mul3A_12 = arith.muli %scan3A_7, %mul3A_11 : i32
      %add3A_13 = arith.addi %mul3A_10, %mul3A_12 : i32
      "tpu.region"() ({
        %run_scoped3A = tpu.sem_alloc : memref<!tpu.dma_semaphore, #tpu.memory_space<semaphore_mem>>
        %dma_start3A = arith.constant 0 : i32
        %dma_start3A_22 = tpu.memref_slice %arg2[%add3A_13, %dma_start3A] : memref<2048x2560xi32, #tpu.memory_space<hbm>> -> memref<8x2560xi32, #tpu.memory_space<hbm>>
        %dma_start3A_23 = arith.constant 0 : i32
        %dma_start3A_24 = tpu.memref_slice %arg2[%add3A_13, %dma_start3A_23] : memref<2048x2560xi32, #tpu.memory_space<hbm>> -> memref<8x2560xi32, #tpu.memory_space<hbm>>
        tpu.enqueue_dma source(%dma_start3A_24 : memref<8x2560xi32, #tpu.memory_space<hbm>>) target(%arg7 : memref<8x2560xi32, #tpu.memory_space<vmem>>) target_semaphore(%run_scoped3A : memref<!tpu.dma_semaphore, #tpu.memory_space<semaphore_mem>>)
        %dma_wait3A = arith.constant 0 : i32
        %dma_wait3A_25 = tpu.memref_slice %arg2[%add3A_13, %dma_wait3A] : memref<2048x2560xi32, #tpu.memory_space<hbm>> -> memref<8x2560xi32, #tpu.memory_space<hbm>>
        %dma_wait3A_26 = arith.constant 0 : i32
        %dma_wait3A_27 = tpu.memref_slice %arg2[%add3A_13, %dma_wait3A_26] : memref<2048x2560xi32, #tpu.memory_space<hbm>> -> memref<8x2560xi32, #tpu.memory_space<hbm>>
        tpu.wait_dma2 semaphore(%run_scoped3A : memref<!tpu.dma_semaphore, #tpu.memory_space<semaphore_mem>>) src(%dma_wait3A_27 : memref<8x2560xi32, #tpu.memory_space<hbm>>) dst(%arg7 : memref<8x2560xi32, #tpu.memory_space<vmem>>)
        tpu.yield
      }) : () -> ()
      "tpu.region"() ({
        %run_scoped3A = tpu.sem_alloc : memref<!tpu.dma_semaphore, #tpu.memory_space<semaphore_mem>>
        %dma_start3A = arith.constant 0 : i32
        %dma_start3A_22 = tpu.memref_slice %arg3[%add3A_13, %dma_start3A] : memref<2048x2560xi32, #tpu.memory_space<hbm>> -> memref<8x2560xi32, #tpu.memory_space<hbm>>
        %dma_start3A_23 = arith.constant 0 : i32
        %dma_start3A_24 = tpu.memref_slice %arg3[%add3A_13, %dma_start3A_23] : memref<2048x2560xi32, #tpu.memory_space<hbm>> -> memref<8x2560xi32, #tpu.memory_space<hbm>>
        tpu.enqueue_dma source(%dma_start3A_24 : memref<8x2560xi32, #tpu.memory_space<hbm>>) target(%arg8 : memref<8x2560xi32, #tpu.memory_space<vmem>>) target_semaphore(%run_scoped3A : memref<!tpu.dma_semaphore, #tpu.memory_space<semaphore_mem>>)
        %dma_wait3A = arith.constant 0 : i32
        %dma_wait3A_25 = tpu.memref_slice %arg3[%add3A_13, %dma_wait3A] : memref<2048x2560xi32, #tpu.memory_space<hbm>> -> memref<8x2560xi32, #tpu.memory_space<hbm>>
        %dma_wait3A_26 = arith.constant 0 : i32
        %dma_wait3A_27 = tpu.memref_slice %arg3[%add3A_13, %dma_wait3A_26] : memref<2048x2560xi32, #tpu.memory_space<hbm>> -> memref<8x2560xi32, #tpu.memory_space<hbm>>
        tpu.wait_dma2 semaphore(%run_scoped3A : memref<!tpu.dma_semaphore, #tpu.memory_space<semaphore_mem>>) src(%dma_wait3A_27 : memref<8x2560xi32, #tpu.memory_space<hbm>>) dst(%arg8 : memref<8x2560xi32, #tpu.memory_space<vmem>>)
        tpu.yield
      }) : () -> ()
      "tpu.region"() ({
        %run_scoped3A = tpu.sem_alloc : memref<!tpu.dma_semaphore, #tpu.memory_space<semaphore_mem>>
        %dma_start3A = arith.constant 0 : i32
        %dma_start3A_22 = tpu.memref_slice %arg4[%add3A_13, %dma_start3A] : memref<2048x2560xi32, #tpu.memory_space<hbm>> -> memref<8x2560xi32, #tpu.memory_space<hbm>>
        %dma_start3A_23 = arith.constant 0 : i32
        %dma_start3A_24 = tpu.memref_slice %arg4[%add3A_13, %dma_start3A_23] : memref<2048x2560xi32, #tpu.memory_space<hbm>> -> memref<8x2560xi32, #tpu.memory_space<hbm>>
        tpu.enqueue_dma source(%dma_start3A_24 : memref<8x2560xi32, #tpu.memory_space<hbm>>) target(%arg9 : memref<8x2560xi32, #tpu.memory_space<vmem>>) target_semaphore(%run_scoped3A : memref<!tpu.dma_semaphore, #tpu.memory_space<semaphore_mem>>)
        %dma_wait3A = arith.constant 0 : i32
        %dma_wait3A_25 = tpu.memref_slice %arg4[%add3A_13, %dma_wait3A] : memref<2048x2560xi32, #tpu.memory_space<hbm>> -> memref<8x2560xi32, #tpu.memory_space<hbm>>
        %dma_wait3A_26 = arith.constant 0 : i32
        %dma_wait3A_27 = tpu.memref_slice %arg4[%add3A_13, %dma_wait3A_26] : memref<2048x2560xi32, #tpu.memory_space<hbm>> -> memref<8x2560xi32, #tpu.memory_space<hbm>>
        tpu.wait_dma2 semaphore(%run_scoped3A : memref<!tpu.dma_semaphore, #tpu.memory_space<semaphore_mem>>) src(%dma_wait3A_27 : memref<8x2560xi32, #tpu.memory_space<hbm>>) dst(%arg9 : memref<8x2560xi32, #tpu.memory_space<vmem>>)
        tpu.yield
      }) : () -> ()
      "tpu.region"() ({
        %run_scoped3A = tpu.sem_alloc : memref<!tpu.dma_semaphore, #tpu.memory_space<semaphore_mem>>
        %dma_start3A = arith.constant 0 : i32
        %dma_start3A_22 = tpu.memref_slice %arg5[%add3A_13, %dma_start3A] : memref<2048x160xi32, #tpu.memory_space<hbm>> -> memref<8x160xi32, #tpu.memory_space<hbm>>
        %dma_start3A_23 = arith.constant 0 : i32
        %dma_start3A_24 = tpu.memref_slice %arg5[%add3A_13, %dma_start3A_23] : memref<2048x160xi32, #tpu.memory_space<hbm>> -> memref<8x160xi32, #tpu.memory_space<hbm>>
        tpu.enqueue_dma source(%dma_start3A_24 : memref<8x160xi32, #tpu.memory_space<hbm>>) target(%arg10 : memref<8x160xi32, #tpu.memory_space<vmem>>) target_semaphore(%run_scoped3A : memref<!tpu.dma_semaphore, #tpu.memory_space<semaphore_mem>>)
        %dma_wait3A = arith.constant 0 : i32
        %dma_wait3A_25 = tpu.memref_slice %arg5[%add3A_13, %dma_wait3A] : memref<2048x160xi32, #tpu.memory_space<hbm>> -> memref<8x160xi32, #tpu.memory_space<hbm>>
        %dma_wait3A_26 = arith.constant 0 : i32
        %dma_wait3A_27 = tpu.memref_slice %arg5[%add3A_13, %dma_wait3A_26] : memref<2048x160xi32, #tpu.memory_space<hbm>> -> memref<8x160xi32, #tpu.memory_space<hbm>>
        tpu.wait_dma2 semaphore(%run_scoped3A : memref<!tpu.dma_semaphore, #tpu.memory_space<semaphore_mem>>) src(%dma_wait3A_27 : memref<8x160xi32, #tpu.memory_space<hbm>>) dst(%arg10 : memref<8x160xi32, #tpu.memory_space<vmem>>)
        tpu.yield
      }) : () -> ()
      %scan3A_14 = arith.constant 0 : i32
      %scan3A_15 = arith.constant 0 : i32
      %scan3A_16 = arith.constant 8 : i32
      %scan3A_17 = arith.addi %scan3A_15, %scan3A_16 : i32
      %scan3A_18 = arith.constant 1 : i32
      %scan3A_19 = scf.for %scan3A_22 = %scan3A_15 to %scan3A_17 step %scan3A_18 iter_args(%scan3A_23 = %scan3A_14) -> (i32)  : i32 {
        %get3A = arith.index_cast %scan3A_22 : i32 to index
        %get3A_24 = arith.constant 0 : index
        %get3A_25 = tpu.vector_load %arg10[%get3A, %get3A_24] {strides = array<i32>} : memref<8x160xi32, #tpu.memory_space<vmem>>, vector<16xi32>,
        %get3A_26 = arith.index_cast %scan3A_22 : i32 to index
        %get3A_27 = arith.constant 16 : index
        %get3A_28 = tpu.vector_load %arg10[%get3A_26, %get3A_27] {strides = array<i32>} : memref<8x160xi32, #tpu.memory_space<vmem>>, vector<16xi32>,
        %get3A_29 = arith.index_cast %scan3A_22 : i32 to index
        %get3A_30 = arith.constant 32 : index
        %get3A_31 = tpu.vector_load %arg10[%get3A_29, %get3A_30] {strides = array<i32>} : memref<8x160xi32, #tpu.memory_space<vmem>>, vector<16xi32>,
        %get3A_32 = arith.index_cast %scan3A_22 : i32 to index
        %get3A_33 = arith.constant 48 : index
        %get3A_34 = tpu.vector_load %arg10[%get3A_32, %get3A_33] {strides = array<i32>} : memref<8x160xi32, #tpu.memory_space<vmem>>, vector<16xi32>,
        %get3A_35 = arith.index_cast %scan3A_22 : i32 to index
        %get3A_36 = arith.constant 64 : index
        %get3A_37 = tpu.vector_load %arg10[%get3A_35, %get3A_36] {strides = array<i32>} : memref<8x160xi32, #tpu.memory_space<vmem>>, vector<16xi32>,
        %get3A_38 = arith.index_cast %scan3A_22 : i32 to index
        %get3A_39 = arith.constant 80 : index
        %get3A_40 = tpu.vector_load %arg10[%get3A_38, %get3A_39] {strides = array<i32>} : memref<8x160xi32, #tpu.memory_space<vmem>>, vector<16xi32>,
        %get3A_41 = arith.index_cast %scan3A_22 : i32 to index
        %get3A_42 = arith.constant 96 : index
        %get3A_43 = tpu.vector_load %arg10[%get3A_41, %get3A_42] {strides = array<i32>} : memref<8x160xi32, #tpu.memory_space<vmem>>, vector<16xi32>,
        %get3A_44 = arith.index_cast %scan3A_22 : i32 to index
        %get3A_45 = arith.constant 112 : index
        %get3A_46 = tpu.vector_load %arg10[%get3A_44, %get3A_45] {strides = array<i32>} : memref<8x160xi32, #tpu.memory_space<vmem>>, vector<16xi32>,
        %get3A_47 = arith.index_cast %scan3A_22 : i32 to index
        %get3A_48 = arith.constant 128 : index
        %get3A_49 = tpu.vector_load %arg10[%get3A_47, %get3A_48] {strides = array<i32>} : memref<8x160xi32, #tpu.memory_space<vmem>>, vector<16xi32>,
        %get3A_50 = arith.index_cast %scan3A_22 : i32 to index
        %get3A_51 = arith.constant 144 : index
        %get3A_52 = tpu.vector_load %arg10[%get3A_50, %get3A_51] {strides = array<i32>} : memref<8x160xi32, #tpu.memory_space<vmem>>, vector<16xi32>,
        %scan3A_53 = arith.constant 0 : i32
        %scan3A_54 = arith.constant 64 : i32
        %scan3A_55 = arith.addi %scan3A_53, %scan3A_54 : i32
        %scan3A_56 = arith.constant 1 : i32
        %scan3A_57:10 = scf.for %scan3A_60 = %scan3A_53 to %scan3A_55 step %scan3A_56 iter_args(%scan3A_61 = %get3A_25, %scan3A_62 = %get3A_28, %scan3A_63 = %get3A_31, %scan3A_64 = %get3A_34, %scan3A_65 = %get3A_37, %scan3A_66 = %get3A_40, %scan3A_67 = %get3A_43, %scan3A_68 = %get3A_46, %scan3A_69 = %get3A_49, %scan3A_70 = %get3A_52) -> (vector<16xi32>, vector<16xi32>, vector<16xi32>, vector<16xi32>, vector<16xi32>, vector<16xi32>, vector<16xi32>, vector<16xi32>, vector<16xi32>, vector<16xi32>)  : i32 {
          %max3A = arith.maxsi %scan3A_61, %scan3A_62 : vector<16xi32>
          %max3A_71 = arith.maxsi %max3A, %scan3A_63 : vector<16xi32>
          %max3A_72 = arith.maxsi %max3A_71, %scan3A_64 : vector<16xi32>
          %max3A_73 = arith.maxsi %max3A_72, %scan3A_65 : vector<16xi32>
          %max3A_74 = arith.maxsi %max3A_73, %scan3A_66 : vector<16xi32>
          %max3A_75 = arith.maxsi %max3A_74, %scan3A_67 : vector<16xi32>
          %max3A_76 = arith.maxsi %max3A_75, %scan3A_68 : vector<16xi32>
          %max3A_77 = arith.maxsi %max3A_76, %scan3A_69 : vector<16xi32>
          %max3A_78 = arith.maxsi %max3A_77, %scan3A_70 : vector<16xi32>
          %reduce_max3A = arith.constant true
          %reduce_max3A_79 = vector.broadcast %reduce_max3A : i1 to vector<16xi1>
          %reduce_max3A_80 = arith.constant -2147483648 : i32
          %reduce_max3A_81 = vector.broadcast %reduce_max3A_80 : i32 to vector<16xi32>
          %reduce_max3A_82 = arith.xori %max3A_78, %reduce_max3A_81 : vector<16xi32>
          %reduce_max3A_83 = tpu.scan <max>, %reduce_max3A_82 masked %reduce_max3A_79 : vector<16xi32>, vector<16xi1> -> vector<16xi32>
          %reduce_max3A_84 = arith.xori %reduce_max3A_83, %reduce_max3A_81 : vector<16xi32>
          %reduce_max3A_85 = vector.extract %reduce_max3A_84[15] : i32 from vector<16xi32>
          %broadcast_in_dim3A = arith.constant 1073741824 : i32
          %broadcast_in_dim3A_86 = vector.broadcast %broadcast_in_dim3A : i32 to vector<16xi32>
          %eq3A = vector.broadcast %reduce_max3A_85 : i32 to vector<16xi32>
          %eq3A_87 = arith.cmpi eq, %scan3A_61, %eq3A : vector<16xi32>
          %add3A_88 = arith.constant 0 : i32
          %add3A_89 = vector.broadcast %add3A_88 : i32 to vector<16xi32>
          %add3A_90 = arith.addi %add3A_89, %iota3A : vector<16xi32>
          %jit3A = arith.constant 1073741824 : i32
          %broadcast_in_dim3A_91 = vector.broadcast %jit3A : i32 to vector<16xi32>
          %select_n3A = arith.select %eq3A_87, %add3A_90, %broadcast_in_dim3A_91 : vector<16xi1>, vector<16xi32>
          %min3A = arith.minsi %broadcast_in_dim3A_86, %select_n3A : vector<16xi32>
          %eq3A_92 = vector.broadcast %reduce_max3A_85 : i32 to vector<16xi32>
          %eq3A_93 = arith.cmpi eq, %scan3A_62, %eq3A_92 : vector<16xi32>
          %add3A_94 = arith.constant 16 : i32
          %add3A_95 = vector.broadcast %add3A_94 : i32 to vector<16xi32>
          %add3A_96 = arith.addi %add3A_95, %iota3A : vector<16xi32>
          %jit3A_97 = arith.constant 1073741824 : i32
          %broadcast_in_dim3A_98 = vector.broadcast %jit3A_97 : i32 to vector<16xi32>
          %select_n3A_99 = arith.select %eq3A_93, %add3A_96, %broadcast_in_dim3A_98 : vector<16xi1>, vector<16xi32>
          %min3A_100 = arith.minsi %min3A, %select_n3A_99 : vector<16xi32>
          %eq3A_101 = vector.broadcast %reduce_max3A_85 : i32 to vector<16xi32>
          %eq3A_102 = arith.cmpi eq, %scan3A_63, %eq3A_101 : vector<16xi32>
          %add3A_103 = arith.constant 32 : i32
          %add3A_104 = vector.broadcast %add3A_103 : i32 to vector<16xi32>
          %add3A_105 = arith.addi %add3A_104, %iota3A : vector<16xi32>
          %jit3A_106 = arith.constant 1073741824 : i32
          %broadcast_in_dim3A_107 = vector.broadcast %jit3A_106 : i32 to vector<16xi32>
          %select_n3A_108 = arith.select %eq3A_102, %add3A_105, %broadcast_in_dim3A_107 : vector<16xi1>, vector<16xi32>
          %min3A_109 = arith.minsi %min3A_100, %select_n3A_108 : vector<16xi32>
          %eq3A_110 = vector.broadcast %reduce_max3A_85 : i32 to vector<16xi32>
          %eq3A_111 = arith.cmpi eq, %scan3A_64, %eq3A_110 : vector<16xi32>
          %add3A_112 = arith.constant 48 : i32
          %add3A_113 = vector.broadcast %add3A_112 : i32 to vector<16xi32>
          %add3A_114 = arith.addi %add3A_113, %iota3A : vector<16xi32>
          %jit3A_115 = arith.constant 1073741824 : i32
          %broadcast_in_dim3A_116 = vector.broadcast %jit3A_115 : i32 to vector<16xi32>
          %select_n3A_117 = arith.select %eq3A_111, %add3A_114, %broadcast_in_dim3A_116 : vector<16xi1>, vector<16xi32>
          %min3A_118 = arith.minsi %min3A_109, %select_n3A_117 : vector<16xi32>
          %eq3A_119 = vector.broadcast %reduce_max3A_85 : i32 to vector<16xi32>
          %eq3A_120 = arith.cmpi eq, %scan3A_65, %eq3A_119 : vector<16xi32>
          %add3A_121 = arith.constant 64 : i32
          %add3A_122 = vector.broadcast %add3A_121 : i32 to vector<16xi32>
          %add3A_123 = arith.addi %add3A_122, %iota3A : vector<16xi32>
          %jit3A_124 = arith.constant 1073741824 : i32
          %broadcast_in_dim3A_125 = vector.broadcast %jit3A_124 : i32 to vector<16xi32>
          %select_n3A_126 = arith.select %eq3A_120, %add3A_123, %broadcast_in_dim3A_125 : vector<16xi1>, vector<16xi32>
          %min3A_127 = arith.minsi %min3A_118, %select_n3A_126 : vector<16xi32>
          %eq3A_128 = vector.broadcast %reduce_max3A_85 : i32 to vector<16xi32>
          %eq3A_129 = arith.cmpi eq, %scan3A_66, %eq3A_128 : vector<16xi32>
          %add3A_130 = arith.constant 80 : i32
          %add3A_131 = vector.broadcast %add3A_130 : i32 to vector<16xi32>
          %add3A_132 = arith.addi %add3A_131, %iota3A : vector<16xi32>
          %jit3A_133 = arith.constant 1073741824 : i32
          %broadcast_in_dim3A_134 = vector.broadcast %jit3A_133 : i32 to vector<16xi32>
          %select_n3A_135 = arith.select %eq3A_129, %add3A_132, %broadcast_in_dim3A_134 : vector<16xi1>, vector<16xi32>
          %min3A_136 = arith.minsi %min3A_127, %select_n3A_135 : vector<16xi32>
          %eq3A_137 = vector.broadcast %reduce_max3A_85 : i32 to vector<16xi32>
          %eq3A_138 = arith.cmpi eq, %scan3A_67, %eq3A_137 : vector<16xi32>
          %add3A_139 = arith.constant 96 : i32
          %add3A_140 = vector.broadcast %add3A_139 : i32 to vector<16xi32>
          %add3A_141 = arith.addi %add3A_140, %iota3A : vector<16xi32>
          %jit3A_142 = arith.constant 1073741824 : i32
          %broadcast_in_dim3A_143 = vector.broadcast %jit3A_142 : i32 to vector<16xi32>
          %select_n3A_144 = arith.select %eq3A_138, %add3A_141, %broadcast_in_dim3A_143 : vector<16xi1>, vector<16xi32>
          %min3A_145 = arith.minsi %min3A_136, %select_n3A_144 : vector<16xi32>
          %eq3A_146 = vector.broadcast %reduce_max3A_85 : i32 to vector<16xi32>
          %eq3A_147 = arith.cmpi eq, %scan3A_68, %eq3A_146 : vector<16xi32>
          %add3A_148 = arith.constant 112 : i32
          %add3A_149 = vector.broadcast %add3A_148 : i32 to vector<16xi32>
          %add3A_150 = arith.addi %add3A_149, %iota3A : vector<16xi32>
          %jit3A_151 = arith.constant 1073741824 : i32
          %broadcast_in_dim3A_152 = vector.broadcast %jit3A_151 : i32 to vector<16xi32>
          %select_n3A_153 = arith.select %eq3A_147, %add3A_150, %broadcast_in_dim3A_152 : vector<16xi1>, vector<16xi32>
          %min3A_154 = arith.minsi %min3A_145, %select_n3A_153 : vector<16xi32>
          %eq3A_155 = vector.broadcast %reduce_max3A_85 : i32 to vector<16xi32>
          %eq3A_156 = arith.cmpi eq, %scan3A_69, %eq3A_155 : vector<16xi32>
          %add3A_157 = arith.constant 128 : i32
          %add3A_158 = vector.broadcast %add3A_157 : i32 to vector<16xi32>
          %add3A_159 = arith.addi %add3A_158, %iota3A : vector<16xi32>
          %jit3A_160 = arith.constant 1073741824 : i32
          %broadcast_in_dim3A_161 = vector.broadcast %jit3A_160 : i32 to vector<16xi32>
          %select_n3A_162 = arith.select %eq3A_156, %add3A_159, %broadcast_in_dim3A_161 : vector<16xi1>, vector<16xi32>
          %min3A_163 = arith.minsi %min3A_154, %select_n3A_162 : vector<16xi32>
          %eq3A_164 = vector.broadcast %reduce_max3A_85 : i32 to vector<16xi32>
          %eq3A_165 = arith.cmpi eq, %scan3A_70, %eq3A_164 : vector<16xi32>
          %add3A_166 = arith.constant 144 : i32
          %add3A_167 = vector.broadcast %add3A_166 : i32 to vector<16xi32>
          %add3A_168 = arith.addi %add3A_167, %iota3A : vector<16xi32>
          %jit3A_169 = arith.constant 1073741824 : i32
          %broadcast_in_dim3A_170 = vector.broadcast %jit3A_169 : i32 to vector<16xi32>
          %select_n3A_171 = arith.select %eq3A_165, %add3A_168, %broadcast_in_dim3A_170 : vector<16xi1>, vector<16xi32>
          %min3A_172 = arith.minsi %min3A_163, %select_n3A_171 : vector<16xi32>
          %reduce_min3A = arith.constant true
          %reduce_min3A_173 = vector.broadcast %reduce_min3A : i1 to vector<16xi1>
          %reduce_min3A_174 = arith.constant -2147483648 : i32
          %reduce_min3A_175 = vector.broadcast %reduce_min3A_174 : i32 to vector<16xi32>
          %reduce_min3A_176 = arith.xori %min3A_172, %reduce_min3A_175 : vector<16xi32>
          %reduce_min3A_177 = tpu.scan <min>, %reduce_min3A_176 masked %reduce_min3A_173 : vector<16xi32>, vector<16xi1> -> vector<16xi32>
          %reduce_min3A_178 = arith.xori %reduce_min3A_177, %reduce_min3A_175 : vector<16xi32>
          %reduce_min3A_179 = vector.extract %reduce_min3A_178[15] : i32 from vector<16xi32>
          %mul3A_180 = arith.constant 16 : i32
          %mul3A_181 = arith.muli %reduce_min3A_179, %mul3A_180 : i32
          %get3A_182 = arith.index_cast %scan3A_22 : i32 to index
          %get3A_183 = arith.index_cast %mul3A_181 : i32 to index
          %get3A_184 = tpu.vector_load %arg7[%get3A_182, %get3A_183] {strides = array<i32>} : memref<8x2560xi32, #tpu.memory_space<vmem>>, vector<16xi32>,
          %eq3A_185 = vector.broadcast %reduce_max3A_85 : i32 to vector<16xi32>
          %eq3A_186 = arith.cmpi eq, %get3A_184, %eq3A_185 : vector<16xi32>
          %jit3A_187 = arith.constant 1073741824 : i32
          %broadcast_in_dim3A_188 = vector.broadcast %jit3A_187 : i32 to vector<16xi32>
          %select_n3A_189 = arith.select %eq3A_186, %iota3A, %broadcast_in_dim3A_188 : vector<16xi1>, vector<16xi32>
          %reduce_min3A_190 = arith.constant true
          %reduce_min3A_191 = vector.broadcast %reduce_min3A_190 : i1 to vector<16xi1>
          %reduce_min3A_192 = arith.constant -2147483648 : i32
          %reduce_min3A_193 = vector.broadcast %reduce_min3A_192 : i32 to vector<16xi32>
          %reduce_min3A_194 = arith.xori %select_n3A_189, %reduce_min3A_193 : vector<16xi32>
          %reduce_min3A_195 = tpu.scan <min>, %reduce_min3A_194 masked %reduce_min3A_191 : vector<16xi32>, vector<16xi1> -> vector<16xi32>
          %reduce_min3A_196 = arith.xori %reduce_min3A_195, %reduce_min3A_193 : vector<16xi32>
          %reduce_min3A_197 = vector.extract %reduce_min3A_196[15] : i32 from vector<16xi32>
          %mul3A_198 = arith.constant 16 : i32
          %mul3A_199 = arith.muli %reduce_min3A_179, %mul3A_198 : i32
          %add3A_200 = arith.addi %mul3A_199, %reduce_min3A_197 : i32
          %mul3A_201 = arith.constant 8 : i32
          %mul3A_202 = arith.muli %add3A_200, %mul3A_201 : i32
          %add3A_203 = arith.constant 7 : i32
          %add3A_204 = arith.addi %mul3A_202, %add3A_203 : i32
          %and3A = arith.constant 7 : i32
          %and3A_205 = arith.andi %reduce_max3A_85, %and3A : i32
          %sub3A = arith.subi %add3A_204, %and3A_205 : i32
          %jit3A_206 = arith.constant 16 : i32
          %div3A = arith.divsi %scan3A_60, %jit3A_206 : i32
          %sign3A = arith.constant 0 : i32
          %sign3A_207 = arith.cmpi sgt, %scan3A_60, %sign3A : i32
          %sign3A_208 = arith.extui %sign3A_207 : i1 to i32
          %sign3A_209 = arith.constant 0 : i32
          %sign3A_210 = arith.cmpi slt, %scan3A_60, %sign3A_209 : i32
          %sign3A_211 = arith.extui %sign3A_210 : i1 to i32
          %sign3A_212 = arith.subi %sign3A_208, %sign3A_211 : i32
          %sign3A_213 = arith.constant 0 : i32
          %sign3A_214 = arith.cmpi sgt, %jit3A_206, %sign3A_213 : i32
          %sign3A_215 = arith.extui %sign3A_214 : i1 to i32
          %sign3A_216 = arith.constant 0 : i32
          %sign3A_217 = arith.cmpi slt, %jit3A_206, %sign3A_216 : i32
          %sign3A_218 = arith.extui %sign3A_217 : i1 to i32
          %sign3A_219 = arith.subi %sign3A_215, %sign3A_218 : i32
          %ne3A = arith.cmpi ne, %sign3A_212, %sign3A_219 : i32
          %rem3A = arith.remsi %scan3A_60, %jit3A_206 : i32
          %ne3A_220 = arith.constant 0 : i32
          %ne3A_221 = arith.cmpi ne, %rem3A, %ne3A_220 : i32
          %and3A_222 = arith.andi %ne3A, %ne3A_221 : i1
          %sub3A_223 = arith.constant 1 : i32
          %sub3A_224 = arith.subi %div3A, %sub3A_223 : i32
          %select_n3A_225 = arith.select %and3A_222, %sub3A_224, %div3A : i32
          %mul3A_226 = arith.constant 16 : i32
          %mul3A_227 = arith.muli %select_n3A_225, %mul3A_226 : i32
          %get3A_228 = arith.index_cast %scan3A_22 : i32 to index
          %get3A_229 = arith.index_cast %mul3A_227 : i32 to index
          %get3A_230 = tpu.vector_load %arg11[%get3A_228, %get3A_229] {strides = array<i32>} : memref<8x64xi32, #tpu.memory_space<vmem>>, vector<16xi32>,
          %jit3A_231 = arith.constant 16 : i32
          %eq3A_232 = arith.constant 0 : i32
          %eq3A_233 = arith.cmpi eq, %jit3A_231, %eq3A_232 : i32
          %jit3A_234 = arith.constant 1 : i32
          %select_n3A_235 = arith.select %eq3A_233, %jit3A_234, %jit3A_231 : i32
          %rem3A_236 = arith.remsi %scan3A_60, %select_n3A_235 : i32
          %ne3A_237 = arith.constant 0 : i32
          %ne3A_238 = arith.cmpi ne, %rem3A_236, %ne3A_237 : i32
          %lt3A = arith.constant 0 : i32
          %lt3A_239 = arith.cmpi slt, %rem3A_236, %lt3A : i32
          %lt3A_240 = arith.constant 0 : i32
          %lt3A_241 = arith.cmpi slt, %select_n3A_235, %lt3A_240 : i32
          %ne3A_242 = arith.xori %lt3A_239, %lt3A_241 : i1
          %and3A_243 = arith.andi %ne3A_242, %ne3A_238 : i1
          %add3A_244 = arith.addi %rem3A_236, %select_n3A_235 : i32
          %select_n3A_245 = arith.select %and3A_243, %add3A_244, %rem3A_236 : i32
          %eq3A_246 = vector.broadcast %select_n3A_245 : i32 to vector<16xi32>
          %eq3A_247 = arith.cmpi eq, %iota3A, %eq3A_246 : vector<16xi32>
          %broadcast_in_dim3A_248 = vector.broadcast %sub3A : i32 to vector<16xi32>
          %select_n3A_249 = arith.select %eq3A_247, %broadcast_in_dim3A_248, %get3A_230 : vector<16xi1>, vector<16xi32>
          %swap3A = arith.index_cast %scan3A_22 : i32 to index
          %swap3A_250 = arith.index_cast %mul3A_227 : i32 to index
          %swap3A_251 = tpu.vector_load %arg11[%swap3A, %swap3A_250] {strides = array<i32>} : memref<8x64xi32, #tpu.memory_space<vmem>>, vector<16xi32>,
          tpu.vector_store %arg11[%swap3A, %swap3A_250], %select_n3A_249 {strides = array<i32>} : memref<8x64xi32, #tpu.memory_space<vmem>>, vector<16xi32>,
          %mul3A_252 = arith.constant 16 : i32
          %mul3A_253 = arith.muli %reduce_min3A_179, %mul3A_252 : i32
          %get3A_254 = arith.index_cast %scan3A_22 : i32 to index
          %get3A_255 = arith.index_cast %mul3A_253 : i32 to index
          %get3A_256 = tpu.vector_load %arg8[%get3A_254, %get3A_255] {strides = array<i32>} : memref<8x2560xi32, #tpu.memory_space<vmem>>, vector<16xi32>,
          %mul3A_257 = arith.constant 16 : i32
          %mul3A_258 = arith.muli %reduce_min3A_179, %mul3A_257 : i32
          %get3A_259 = arith.index_cast %scan3A_22 : i32 to index
          %get3A_260 = arith.index_cast %mul3A_258 : i32 to index
          %get3A_261 = tpu.vector_load %arg9[%get3A_259, %get3A_260] {strides = array<i32>} : memref<8x2560xi32, #tpu.memory_space<vmem>>, vector<16xi32>,
          %eq3A_262 = arith.cmpi eq, %get3A_184, %get3A_261 : vector<16xi32>
          %eq3A_263 = arith.cmpi eq, %get3A_184, %get3A_256 : vector<16xi32>
          %select_n3A_264 = arith.select %eq3A_263, %get3A_261, %get3A_256 : vector<16xi1>, vector<16xi32>
          %jit3A_265 = arith.constant -2147483648 : i32
          %broadcast_in_dim3A_266 = vector.broadcast %jit3A_265 : i32 to vector<16xi32>
          %select_n3A_267 = arith.select %eq3A_262, %broadcast_in_dim3A_266, %select_n3A_264 : vector<16xi1>, vector<16xi32>
          %eq3A_268 = vector.broadcast %reduce_min3A_197 : i32 to vector<16xi32>
          %eq3A_269 = arith.cmpi eq, %iota3A, %eq3A_268 : vector<16xi32>
          %select_n3A_270 = arith.select %eq3A_269, %select_n3A_267, %get3A_184 : vector<16xi1>, vector<16xi32>
          %mul3A_271 = arith.constant 16 : i32
          %mul3A_272 = arith.muli %reduce_min3A_179, %mul3A_271 : i32
          %swap3A_273 = arith.index_cast %scan3A_22 : i32 to index
          %swap3A_274 = arith.index_cast %mul3A_272 : i32 to index
          %swap3A_275 = tpu.vector_load %arg7[%swap3A_273, %swap3A_274] {strides = array<i32>} : memref<8x2560xi32, #tpu.memory_space<vmem>>, vector<16xi32>,
          tpu.vector_store %arg7[%swap3A_273, %swap3A_274], %select_n3A_270 {strides = array<i32>} : memref<8x2560xi32, #tpu.memory_space<vmem>>, vector<16xi32>,
          %reduce_max3A_276 = arith.constant true
          %reduce_max3A_277 = vector.broadcast %reduce_max3A_276 : i1 to vector<16xi1>
          %reduce_max3A_278 = arith.constant -2147483648 : i32
          %reduce_max3A_279 = vector.broadcast %reduce_max3A_278 : i32 to vector<16xi32>
          %reduce_max3A_280 = arith.xori %select_n3A_270, %reduce_max3A_279 : vector<16xi32>
          %reduce_max3A_281 = tpu.scan <max>, %reduce_max3A_280 masked %reduce_max3A_277 : vector<16xi32>, vector<16xi1> -> vector<16xi32>
          %reduce_max3A_282 = arith.xori %reduce_max3A_281, %reduce_max3A_279 : vector<16xi32>
          %reduce_max3A_283 = vector.extract %reduce_max3A_282[15] : i32 from vector<16xi32>
          %jit3A_284 = arith.constant 16 : i32
          %div3A_285 = arith.divsi %reduce_min3A_179, %jit3A_284 : i32
          %sign3A_286 = arith.constant 0 : i32
          %sign3A_287 = arith.cmpi sgt, %reduce_min3A_179, %sign3A_286 : i32
          %sign3A_288 = arith.extui %sign3A_287 : i1 to i32
          %sign3A_289 = arith.constant 0 : i32
          %sign3A_290 = arith.cmpi slt, %reduce_min3A_179, %sign3A_289 : i32
          %sign3A_291 = arith.extui %sign3A_290 : i1 to i32
          %sign3A_292 = arith.subi %sign3A_288, %sign3A_291 : i32
          %sign3A_293 = arith.constant 0 : i32
          %sign3A_294 = arith.cmpi sgt, %jit3A_284, %sign3A_293 : i32
          %sign3A_295 = arith.extui %sign3A_294 : i1 to i32
          %sign3A_296 = arith.constant 0 : i32
          %sign3A_297 = arith.cmpi slt, %jit3A_284, %sign3A_296 : i32
          %sign3A_298 = arith.extui %sign3A_297 : i1 to i32
          %sign3A_299 = arith.subi %sign3A_295, %sign3A_298 : i32
          %ne3A_300 = arith.cmpi ne, %sign3A_292, %sign3A_299 : i32
          %rem3A_301 = arith.remsi %reduce_min3A_179, %jit3A_284 : i32
          %ne3A_302 = arith.constant 0 : i32
          %ne3A_303 = arith.cmpi ne, %rem3A_301, %ne3A_302 : i32
          %and3A_304 = arith.andi %ne3A_300, %ne3A_303 : i1
          %sub3A_305 = arith.constant 1 : i32
          %sub3A_306 = arith.subi %div3A_285, %sub3A_305 : i32
          %select_n3A_307 = arith.select %and3A_304, %sub3A_306, %div3A_285 : i32
          %jit3A_308 = arith.constant 16 : i32
          %eq3A_309 = arith.constant 0 : i32
          %eq3A_310 = arith.cmpi eq, %jit3A_308, %eq3A_309 : i32
          %jit3A_311 = arith.constant 1 : i32
          %select_n3A_312 = arith.select %eq3A_310, %jit3A_311, %jit3A_308 : i32
          %rem3A_313 = arith.remsi %reduce_min3A_179, %select_n3A_312 : i32
          %ne3A_314 = arith.constant 0 : i32
          %ne3A_315 = arith.cmpi ne, %rem3A_313, %ne3A_314 : i32
          %lt3A_316 = arith.constant 0 : i32
          %lt3A_317 = arith.cmpi slt, %rem3A_313, %lt3A_316 : i32
          %lt3A_318 = arith.constant 0 : i32
          %lt3A_319 = arith.cmpi slt, %select_n3A_312, %lt3A_318 : i32
          %ne3A_320 = arith.xori %lt3A_317, %lt3A_319 : i1
          %and3A_321 = arith.andi %ne3A_320, %ne3A_315 : i1
          %add3A_322 = arith.addi %rem3A_313, %select_n3A_312 : i32
          %select_n3A_323 = arith.select %and3A_321, %add3A_322, %rem3A_313 : i32
          %eq3A_324 = vector.broadcast %select_n3A_323 : i32 to vector<16xi32>
          %eq3A_325 = arith.cmpi eq, %iota3A, %eq3A_324 : vector<16xi32>
          %eq3A_326 = arith.constant 0 : i32
          %eq3A_327 = arith.cmpi eq, %select_n3A_307, %eq3A_326 : i32
          %and3A_328 = vector.broadcast %eq3A_327 : i1 to vector<16xi1>
          %and3A_329 = arith.andi %eq3A_325, %and3A_328 : vector<16xi1>
          %broadcast_in_dim3A_330 = vector.broadcast %reduce_max3A_283 : i32 to vector<16xi32>
          %select_n3A_331 = arith.select %and3A_329, %broadcast_in_dim3A_330, %scan3A_61 : vector<16xi1>, vector<16xi32>
          %eq3A_332 = vector.broadcast %select_n3A_323 : i32 to vector<16xi32>
          %eq3A_333 = arith.cmpi eq, %iota3A, %eq3A_332 : vector<16xi32>
          %eq3A_334 = arith.constant 1 : i32
          %eq3A_335 = arith.cmpi eq, %select_n3A_307, %eq3A_334 : i32
          %and3A_336 = vector.broadcast %eq3A_335 : i1 to vector<16xi1>
          %and3A_337 = arith.andi %eq3A_333, %and3A_336 : vector<16xi1>
          %broadcast_in_dim3A_338 = vector.broadcast %reduce_max3A_283 : i32 to vector<16xi32>
          %select_n3A_339 = arith.select %and3A_337, %broadcast_in_dim3A_338, %scan3A_62 : vector<16xi1>, vector<16xi32>
          %eq3A_340 = vector.broadcast %select_n3A_323 : i32 to vector<16xi32>
          %eq3A_341 = arith.cmpi eq, %iota3A, %eq3A_340 : vector<16xi32>
          %eq3A_342 = arith.constant 2 : i32
          %eq3A_343 = arith.cmpi eq, %select_n3A_307, %eq3A_342 : i32
          %and3A_344 = vector.broadcast %eq3A_343 : i1 to vector<16xi1>
          %and3A_345 = arith.andi %eq3A_341, %and3A_344 : vector<16xi1>
          %broadcast_in_dim3A_346 = vector.broadcast %reduce_max3A_283 : i32 to vector<16xi32>
          %select_n3A_347 = arith.select %and3A_345, %broadcast_in_dim3A_346, %scan3A_63 : vector<16xi1>, vector<16xi32>
          %eq3A_348 = vector.broadcast %select_n3A_323 : i32 to vector<16xi32>
          %eq3A_349 = arith.cmpi eq, %iota3A, %eq3A_348 : vector<16xi32>
          %eq3A_350 = arith.constant 3 : i32
          %eq3A_351 = arith.cmpi eq, %select_n3A_307, %eq3A_350 : i32
          %and3A_352 = vector.broadcast %eq3A_351 : i1 to vector<16xi1>
          %and3A_353 = arith.andi %eq3A_349, %and3A_352 : vector<16xi1>
          %broadcast_in_dim3A_354 = vector.broadcast %reduce_max3A_283 : i32 to vector<16xi32>
          %select_n3A_355 = arith.select %and3A_353, %broadcast_in_dim3A_354, %scan3A_64 : vector<16xi1>, vector<16xi32>
          %eq3A_356 = vector.broadcast %select_n3A_323 : i32 to vector<16xi32>
          %eq3A_357 = arith.cmpi eq, %iota3A, %eq3A_356 : vector<16xi32>
          %eq3A_358 = arith.constant 4 : i32
          %eq3A_359 = arith.cmpi eq, %select_n3A_307, %eq3A_358 : i32
          %and3A_360 = vector.broadcast %eq3A_359 : i1 to vector<16xi1>
          %and3A_361 = arith.andi %eq3A_357, %and3A_360 : vector<16xi1>
          %broadcast_in_dim3A_362 = vector.broadcast %reduce_max3A_283 : i32 to vector<16xi32>
          %select_n3A_363 = arith.select %and3A_361, %broadcast_in_dim3A_362, %scan3A_65 : vector<16xi1>, vector<16xi32>
          %eq3A_364 = vector.broadcast %select_n3A_323 : i32 to vector<16xi32>
          %eq3A_365 = arith.cmpi eq, %iota3A, %eq3A_364 : vector<16xi32>
          %eq3A_366 = arith.constant 5 : i32
          %eq3A_367 = arith.cmpi eq, %select_n3A_307, %eq3A_366 : i32
          %and3A_368 = vector.broadcast %eq3A_367 : i1 to vector<16xi1>
          %and3A_369 = arith.andi %eq3A_365, %and3A_368 : vector<16xi1>
          %broadcast_in_dim3A_370 = vector.broadcast %reduce_max3A_283 : i32 to vector<16xi32>
          %select_n3A_371 = arith.select %and3A_369, %broadcast_in_dim3A_370, %scan3A_66 : vector<16xi1>, vector<16xi32>
          %eq3A_372 = vector.broadcast %select_n3A_323 : i32 to vector<16xi32>
          %eq3A_373 = arith.cmpi eq, %iota3A, %eq3A_372 : vector<16xi32>
          %eq3A_374 = arith.constant 6 : i32
          %eq3A_375 = arith.cmpi eq, %select_n3A_307, %eq3A_374 : i32
          %and3A_376 = vector.broadcast %eq3A_375 : i1 to vector<16xi1>
          %and3A_377 = arith.andi %eq3A_373, %and3A_376 : vector<16xi1>
          %broadcast_in_dim3A_378 = vector.broadcast %reduce_max3A_283 : i32 to vector<16xi32>
          %select_n3A_379 = arith.select %and3A_377, %broadcast_in_dim3A_378, %scan3A_67 : vector<16xi1>, vector<16xi32>
          %eq3A_380 = vector.broadcast %select_n3A_323 : i32 to vector<16xi32>
          %eq3A_381 = arith.cmpi eq, %iota3A, %eq3A_380 : vector<16xi32>
          %eq3A_382 = arith.constant 7 : i32
          %eq3A_383 = arith.cmpi eq, %select_n3A_307, %eq3A_382 : i32
          %and3A_384 = vector.broadcast %eq3A_383 : i1 to vector<16xi1>
          %and3A_385 = arith.andi %eq3A_381, %and3A_384 : vector<16xi1>
          %broadcast_in_dim3A_386 = vector.broadcast %reduce_max3A_283 : i32 to vector<16xi32>
          %select_n3A_387 = arith.select %and3A_385, %broadcast_in_dim3A_386, %scan3A_68 : vector<16xi1>, vector<16xi32>
          %eq3A_388 = vector.broadcast %select_n3A_323 : i32 to vector<16xi32>
          %eq3A_389 = arith.cmpi eq, %iota3A, %eq3A_388 : vector<16xi32>
          %eq3A_390 = arith.constant 8 : i32
          %eq3A_391 = arith.cmpi eq, %select_n3A_307, %eq3A_390 : i32
          %and3A_392 = vector.broadcast %eq3A_391 : i1 to vector<16xi1>
          %and3A_393 = arith.andi %eq3A_389, %and3A_392 : vector<16xi1>
          %broadcast_in_dim3A_394 = vector.broadcast %reduce_max3A_283 : i32 to vector<16xi32>
          %select_n3A_395 = arith.select %and3A_393, %broadcast_in_dim3A_394, %scan3A_69 : vector<16xi1>, vector<16xi32>
          %eq3A_396 = vector.broadcast %select_n3A_323 : i32 to vector<16xi32>
          %eq3A_397 = arith.cmpi eq, %iota3A, %eq3A_396 : vector<16xi32>
          %eq3A_398 = arith.constant 9 : i32
          %eq3A_399 = arith.cmpi eq, %select_n3A_307, %eq3A_398 : i32
          %and3A_400 = vector.broadcast %eq3A_399 : i1 to vector<16xi1>
          %and3A_401 = arith.andi %eq3A_397, %and3A_400 : vector<16xi1>
          %broadcast_in_dim3A_402 = vector.broadcast %reduce_max3A_283 : i32 to vector<16xi32>
          %select_n3A_403 = arith.select %and3A_401, %broadcast_in_dim3A_402, %scan3A_70 : vector<16xi1>, vector<16xi32>
          scf.yield %select_n3A_331, %select_n3A_339, %select_n3A_347, %select_n3A_355, %select_n3A_363, %select_n3A_371, %select_n3A_379, %select_n3A_387, %select_n3A_395, %select_n3A_403 : vector<16xi32>, vector<16xi32>, vector<16xi32>, vector<16xi32>, vector<16xi32>, vector<16xi32>, vector<16xi32>, vector<16xi32>, vector<16xi32>, vector<16xi32>
        }
        %scan3A_58 = arith.constant 64 : i32
        %scan3A_59 = arith.constant 0 : i32
        scf.yield %scan3A_59 : i32
      }
      %scan3A_20 = arith.constant 8 : i32
      "tpu.region"() ({
        %run_scoped3A = tpu.sem_alloc : memref<!tpu.dma_semaphore, #tpu.memory_space<semaphore_mem>>
        %dma_start3A = arith.constant 0 : i32
        %dma_start3A_22 = tpu.memref_slice %arg6[%add3A_13, %dma_start3A] : memref<2048x64xi32, #tpu.memory_space<hbm>> -> memref<8x64xi32, #tpu.memory_space<hbm>>
        %dma_start3A_23 = arith.constant 0 : i32
        %dma_start3A_24 = tpu.memref_slice %arg6[%add3A_13, %dma_start3A_23] : memref<2048x64xi32, #tpu.memory_space<hbm>> -> memref<8x64xi32, #tpu.memory_space<hbm>>
        tpu.enqueue_dma source(%arg11 : memref<8x64xi32, #tpu.memory_space<vmem>>) target(%dma_start3A_24 : memref<8x64xi32, #tpu.memory_space<hbm>>) target_semaphore(%run_scoped3A : memref<!tpu.dma_semaphore, #tpu.memory_space<semaphore_mem>>)
        %dma_wait3A = arith.constant 0 : i32
        %dma_wait3A_25 = tpu.memref_slice %arg6[%add3A_13, %dma_wait3A] : memref<2048x64xi32, #tpu.memory_space<hbm>> -> memref<8x64xi32, #tpu.memory_space<hbm>>
        %dma_wait3A_26 = arith.constant 0 : i32
        %dma_wait3A_27 = tpu.memref_slice %arg6[%add3A_13, %dma_wait3A_26] : memref<2048x64xi32, #tpu.memory_space<hbm>> -> memref<8x64xi32, #tpu.memory_space<hbm>>
        tpu.wait_dma2 semaphore(%run_scoped3A : memref<!tpu.dma_semaphore, #tpu.memory_space<semaphore_mem>>) src(%arg11 : memref<8x64xi32, #tpu.memory_space<vmem>>) dst(%dma_wait3A_27 : memref<8x64xi32, #tpu.memory_space<hbm>>)
        tpu.yield
      }) : () -> ()
      %scan3A_21 = arith.constant 0 : i32
      scf.yield %scan3A_21 : i32
    }
    %scan3A_6 = arith.constant 8 : i32
    return
  }
}

module attributes {stable_mosaic.version = 14 : i64} {
  func.func @_keys_kernel(%arg0: i32, %arg1: memref<256x1xf32, #tpu.memory_space<vmem>>, %arg2: memref<256x1xf32, #tpu.memory_space<vmem>>, %arg3: memref<256x1xf32, #tpu.memory_space<vmem>>, %arg4: memref<1x2048xf32, #tpu.memory_space<vmem>>, %arg5: memref<1x2048xf32, #tpu.memory_space<vmem>>, %arg6: memref<1x2048xf32, #tpu.memory_space<vmem>>, %arg7: memref<32x2048xi32, #tpu.memory_space<vmem>>, %arg8: memref<32x2048xi32, #tpu.memory_space<vmem>>, %arg9: memref<32x2048xi32, #tpu.memory_space<vmem>>) attributes {dimension_semantics = [#tpu.dimension_semantics<arbitrary>], iteration_bounds = array<i64: 80>, scalar_prefetch = 0 : i64, scratch_operands = 0 : i64, tpu.core_type = #tpu.core_type<tc>, window_params = [{transform_indices = @transform_0, window_bounds = array<i64: 256, 1>}, {transform_indices = @transform_1, window_bounds = array<i64: 256, 1>}, {transform_indices = @transform_2, window_bounds = array<i64: 256, 1>}, {pipeline_mode = #tpu.pipeline_mode<synchronous>, transform_indices = @transform_3, window_bounds = array<i64: 1, 2048>}, {pipeline_mode = #tpu.pipeline_mode<synchronous>, transform_indices = @transform_4, window_bounds = array<i64: 1, 2048>}, {pipeline_mode = #tpu.pipeline_mode<synchronous>, transform_indices = @transform_5, window_bounds = array<i64: 1, 2048>}, {transform_indices = @transform_6, window_bounds = array<i64: 32, 2048>}, {transform_indices = @transform_7, window_bounds = array<i64: 32, 2048>}, {transform_indices = @transform_8, window_bounds = array<i64: 32, 2048>}]} {
    %get3A = arith.constant 0 : index
    %get3A_0 = arith.constant 0 : index
    %get3A_1 = vector.load %arg1[%get3A, %get3A_0] : memref<256x1xf32, #tpu.memory_space<vmem>>, vector<256x1xf32>
    %get3A_2 = arith.constant 0 : index
    %get3A_3 = arith.constant 0 : index
    %get3A_4 = vector.load %arg4[%get3A_2, %get3A_3] : memref<1x2048xf32, #tpu.memory_space<vmem>>, vector<1x2048xf32>
    %mul3A = vector.broadcast %get3A_1 : vector<256x1xf32> to vector<256x2048xf32>
    %mul3A_5 = vector.broadcast %get3A_4 : vector<1x2048xf32> to vector<256x2048xf32>
    %mul3A_6 = arith.mulf %mul3A, %mul3A_5 : vector<256x2048xf32>
    %get3A_7 = arith.constant 0 : index
    %get3A_8 = arith.constant 0 : index
    %get3A_9 = vector.load %arg2[%get3A_7, %get3A_8] : memref<256x1xf32, #tpu.memory_space<vmem>>, vector<256x1xf32>
    %get3A_10 = arith.constant 0 : index
    %get3A_11 = arith.constant 0 : index
    %get3A_12 = vector.load %arg5[%get3A_10, %get3A_11] : memref<1x2048xf32, #tpu.memory_space<vmem>>, vector<1x2048xf32>
    %mul3A_13 = vector.broadcast %get3A_9 : vector<256x1xf32> to vector<256x2048xf32>
    %mul3A_14 = vector.broadcast %get3A_12 : vector<1x2048xf32> to vector<256x2048xf32>
    %mul3A_15 = arith.mulf %mul3A_13, %mul3A_14 : vector<256x2048xf32>
    %add3A = arith.addf %mul3A_6, %mul3A_15 : vector<256x2048xf32>
    %get3A_16 = arith.constant 0 : index
    %get3A_17 = arith.constant 0 : index
    %get3A_18 = vector.load %arg3[%get3A_16, %get3A_17] : memref<256x1xf32, #tpu.memory_space<vmem>>, vector<256x1xf32>
    %get3A_19 = arith.constant 0 : index
    %get3A_20 = arith.constant 0 : index
    %get3A_21 = vector.load %arg6[%get3A_19, %get3A_20] : memref<1x2048xf32, #tpu.memory_space<vmem>>, vector<1x2048xf32>
    %mul3A_22 = vector.broadcast %get3A_18 : vector<256x1xf32> to vector<256x2048xf32>
    %mul3A_23 = vector.broadcast %get3A_21 : vector<1x2048xf32> to vector<256x2048xf32>
    %mul3A_24 = arith.mulf %mul3A_22, %mul3A_23 : vector<256x2048xf32>
    %add3A_25 = arith.addf %add3A, %mul3A_24 : vector<256x2048xf32>
    %iota3A = tpu.iota {dimensions = array<i32: 0>} : vector<256x2048xi32>
    %mul3A_26 = arith.constant 256 : i32
    %mul3A_27 = arith.muli %arg0, %mul3A_26 : i32
    %add3A_28 = vector.broadcast %mul3A_27 : i32 to vector<256x2048xi32>
    %add3A_29 = arith.addi %iota3A, %add3A_28 : vector<256x2048xi32>
    %lt3A = arith.constant 20000 : i32
    %lt3A_30 = vector.broadcast %lt3A : i32 to vector<256x2048xi32>
    %lt3A_31 = arith.cmpi slt, %add3A_29, %lt3A_30 : vector<256x2048xi32>
    %jit3A = arith.constant -3.000000e+00 : f32
    %broadcast_in_dim3A = vector.broadcast %jit3A : f32 to vector<256x2048xf32>
    %select_n3A = arith.select %lt3A_31, %add3A_25, %broadcast_in_dim3A : vector<256x2048xi1>, vector<256x2048xf32>
    %add3A_32 = arith.constant 2.000000e+00 : f32
    %add3A_33 = vector.broadcast %add3A_32 : f32 to vector<256x2048xf32>
    %add3A_34 = arith.addf %select_n3A, %add3A_33 : vector<256x2048xf32>
    %bitcast_convert_type3A = tpu.bitcast %add3A_34 : vector<256x2048xf32> -> vector<256x2048xi32>
    %and3A = arith.constant -8 : i32
    %and3A_35 = vector.broadcast %and3A : i32 to vector<256x2048xi32>
    %and3A_36 = arith.andi %bitcast_convert_type3A, %and3A_35 : vector<256x2048xi32>
    %and3A_37 = arith.constant 7 : i32
    %and3A_38 = vector.broadcast %and3A_37 : i32 to vector<256x2048xi32>
    %and3A_39 = arith.andi %add3A_29, %and3A_38 : vector<256x2048xi32>
    %sub3A = arith.constant 7 : i32
    %sub3A_40 = vector.broadcast %sub3A : i32 to vector<256x2048xi32>
    %sub3A_41 = arith.subi %sub3A_40, %and3A_39 : vector<256x2048xi32>
    %or3A = arith.ori %and3A_36, %sub3A_41 : vector<256x2048xi32>
    %reshape3A = vector.shape_cast %or3A : vector<256x2048xi32> to vector<32x8x2048xi32>
    %reduce_max3A = arith.constant dense<-2147483648> : vector<32x2048xi32>
    %reduce_max3A_42 = vector.multi_reduction <maxsi>, %reshape3A, %reduce_max3A [1] : vector<32x8x2048xi32> to vector<32x2048xi32>
    %broadcast_in_dim3A_43 = vector.shape_cast %reduce_max3A_42 : vector<32x2048xi32> to vector<32x1x2048xi32>
    %eq3A = vector.broadcast %broadcast_in_dim3A_43 : vector<32x1x2048xi32> to vector<32x8x2048xi32>
    %eq3A_44 = arith.cmpi eq, %reshape3A, %eq3A : vector<32x8x2048xi32>
    %jit3A_45 = arith.constant -2147483648 : i32
    %broadcast_in_dim3A_46 = vector.broadcast %jit3A_45 : i32 to vector<32x8x2048xi32>
    %select_n3A_47 = arith.select %eq3A_44, %broadcast_in_dim3A_46, %reshape3A : vector<32x8x2048xi1>, vector<32x8x2048xi32>
    %reduce_max3A_48 = arith.constant dense<-2147483648> : vector<32x2048xi32>
    %reduce_max3A_49 = vector.multi_reduction <maxsi>, %select_n3A_47, %reduce_max3A_48 [1] : vector<32x8x2048xi32> to vector<32x2048xi32>
    %broadcast_in_dim3A_50 = vector.shape_cast %reduce_max3A_49 : vector<32x2048xi32> to vector<32x1x2048xi32>
    %eq3A_51 = vector.broadcast %broadcast_in_dim3A_50 : vector<32x1x2048xi32> to vector<32x8x2048xi32>
    %eq3A_52 = arith.cmpi eq, %select_n3A_47, %eq3A_51 : vector<32x8x2048xi32>
    %jit3A_53 = arith.constant -2147483648 : i32
    %broadcast_in_dim3A_54 = vector.broadcast %jit3A_53 : i32 to vector<32x8x2048xi32>
    %select_n3A_55 = arith.select %eq3A_52, %broadcast_in_dim3A_54, %select_n3A_47 : vector<32x8x2048xi1>, vector<32x8x2048xi32>
    %reduce_max3A_56 = arith.constant dense<-2147483648> : vector<32x2048xi32>
    %reduce_max3A_57 = vector.multi_reduction <maxsi>, %select_n3A_55, %reduce_max3A_56 [1] : vector<32x8x2048xi32> to vector<32x2048xi32>
    %swap3A = arith.constant 0 : index
    %swap3A_58 = arith.constant 0 : index
    %swap3A_59 = vector.load %arg7[%swap3A, %swap3A_58] : memref<32x2048xi32, #tpu.memory_space<vmem>>, vector<32x2048xi32>
    tpu.vector_store %arg7[%swap3A, %swap3A_58], %reduce_max3A_42 {strides = array<i32>} : memref<32x2048xi32, #tpu.memory_space<vmem>>, vector<32x2048xi32>,
    %swap3A_60 = arith.constant 0 : index
    %swap3A_61 = arith.constant 0 : index
    %swap3A_62 = vector.load %arg8[%swap3A_60, %swap3A_61] : memref<32x2048xi32, #tpu.memory_space<vmem>>, vector<32x2048xi32>
    tpu.vector_store %arg8[%swap3A_60, %swap3A_61], %reduce_max3A_49 {strides = array<i32>} : memref<32x2048xi32, #tpu.memory_space<vmem>>, vector<32x2048xi32>,
    %swap3A_63 = arith.constant 0 : index
    %swap3A_64 = arith.constant 0 : index
    %swap3A_65 = vector.load %arg9[%swap3A_63, %swap3A_64] : memref<32x2048xi32, #tpu.memory_space<vmem>>, vector<32x2048xi32>
    tpu.vector_store %arg9[%swap3A_63, %swap3A_64], %reduce_max3A_57 {strides = array<i32>} : memref<32x2048xi32, #tpu.memory_space<vmem>>, vector<32x2048xi32>,
    return
  }
  func.func @transform_0(%arg0: i32) -> (i32, i32) {
    %c0_i32 = arith.constant 0 : i32
    %c0_i32_0 = arith.constant 0 : i32
    return %arg0, %c0_i32 : i32, i32
  }
  func.func @transform_1(%arg0: i32) -> (i32, i32) {
    %c0_i32 = arith.constant 0 : i32
    %c0_i32_0 = arith.constant 0 : i32
    return %arg0, %c0_i32 : i32, i32
  }
  func.func @transform_2(%arg0: i32) -> (i32, i32) {
    %c0_i32 = arith.constant 0 : i32
    %c0_i32_0 = arith.constant 0 : i32
    return %arg0, %c0_i32 : i32, i32
  }
  func.func @transform_3(%arg0: i32) -> (i32, i32) {
    %c0_i32 = arith.constant 0 : i32
    %c0_i32_0 = arith.constant 0 : i32
    %c0_i32_1 = arith.constant 0 : i32
    return %c0_i32, %c0_i32_0 : i32, i32
  }
  func.func @transform_4(%arg0: i32) -> (i32, i32) {
    %c0_i32 = arith.constant 0 : i32
    %c0_i32_0 = arith.constant 0 : i32
    %c0_i32_1 = arith.constant 0 : i32
    return %c0_i32, %c0_i32_0 : i32, i32
  }
  func.func @transform_5(%arg0: i32) -> (i32, i32) {
    %c0_i32 = arith.constant 0 : i32
    %c0_i32_0 = arith.constant 0 : i32
    %c0_i32_1 = arith.constant 0 : i32
    return %c0_i32, %c0_i32_0 : i32, i32
  }
  func.func @transform_6(%arg0: i32) -> (i32, i32) {
    %c0_i32 = arith.constant 0 : i32
    %c0_i32_0 = arith.constant 0 : i32
    return %arg0, %c0_i32 : i32, i32
  }
  func.func @transform_7(%arg0: i32) -> (i32, i32) {
    %c0_i32 = arith.constant 0 : i32
    %c0_i32_0 = arith.constant 0 : i32
    return %arg0, %c0_i32 : i32, i32
  }
  func.func @transform_8(%arg0: i32) -> (i32, i32) {
    %c0_i32 = arith.constant 0 : i32
    %c0_i32_0 = arith.constant 0 : i32
    return %arg0, %c0_i32 : i32, i32
  }
}

</mosaic_0001>

<sc_bundles>
// kernel: gather_offload_async_start.1
scs
__scs_entry_jumppad:
0x0: {  	(pc) =	sbr.rel $0x88, $3  }
0x1: {  	(tag) =	ssettag $0x0;
	lr =	simm.s32 $0x1  }
0x2: {  	[smem:$0x3F9D] =	sst lr;
	_ =	strace $0xD0000000  }
0x3: {  	_ = 	snop  }
0x4: {  	_ = 	snop  }
0x5: {  	_ = 	snop  }
0x6: {  	_ = 	snop  }
0x7: {  	_ = 	snop  }
__scs_overlays_trampoline_lowered:
0x8: {  	[smem:$0x3FAC] =	sst s0  }
0x9: {  	[smem:$0x3FAD] =	sst s1  }
0xa: {  	[smem:$0x3FAE] =	sst s2  }
0xb: {  	[smem:$0x3FAF] =	sst s3  }
0xc: {  	[smem:$0x3FB0] =	sst s4  }
0xd: {  	[smem:$0x3FB1] =	sst s5  }
0xe: {  	[smem:$0x3FB2] =	sst s6  }
0xf: {  	[smem:$0x3FB3] =	sst s7  }
0x10: {  	[smem:$0x3FB4] =	sst s8  }
0x11: {  	[smem:$0x3FB5] =	sst s9;
	s0 =	simm.s32 @!p0 $0x0  }
0x12: {  	s1 =	sld [smem:$0x3F9B];
	s0 =	simm.s32 @p0 $0x1  }
0x13: {  	[smem:$0x3FB6] =	sst s0;
	s0 =	simm.s32 @!p1 $0x0  }
0x14: {  	s2 =	sld [smem:$0x3F9A];
	s0 =	simm.s32 @p1 $0x1  }
0x15: {  	[smem:$0x3FB7] =	sst s0;
	s0 =	simm.s32 @!p2 $0x0  }
0x16: {  	s3 =	sld [smem:$0x3FDB];
	s0 =	simm.s32 @p2 $0x1  }
0x17: {  	s4 =	simm.s32 $0x1BF5;
	[smem:$0x3FB9] =	sst s0  }
0x18: {  	s0 =	sld [smem:$0x3F9C];
	_ =	swait.ge [sflag:s4], $0x0  }
0x19: {  	s7 =	sld [smem:$0x3F9D]  }
0x1a: {  	s8 =	sadd.s32 $0xFFFFE003, lr  }
0x1b: {  	s9 =	sadd.s32 $0xFFFFFEF7, lr;
	s5 =	simm.s32 $0xFFFFFFFF;
	p2 =	slt.u32 s8, $0xFFFFF086  }
0x1c: {  	p1 =	slt.u32 s9, $0xF7A;
	s5 =	simm.s32 @!p2 $0x0  }
0x1d: {  	s5 =	simm.s32 @p1 $0x1;
	p0 =	seq.s32 s7, s2  }
0x1e: {  	s7 =	smul.u32 @!p0 $0xF7A, s2;
	p2 =	seq.s32 @!p0 s5, $0x0  }
0x1f: {  	s9 =	smul.u32 $0xF7A, s1;
	s8 =	simm.s32 @!p0 $0x1BF5;
	p2 =	por !p2, p0  }
0x20: {  	[sflag:s8] =	ssyncset.s32 @!p0 $0xFFFFF086;
	s6 =	sadd.s32 @!p0 s3, s7;
	s7 =	simm.s32 @!p0 $0x108  }
0x21: {  	s3 =	sadd.s32 s3, s9;
	s6 =	sadd.s32 @!p0 $0x88, s6;
	s7 =	simm.s32 @p2 $0x1082  }
0x22: {  	[simem:s7], [sflag:s8] =	dma.local @!p0 [hbm:s6], $0xF7A  }
0x23: {  	s9 =	sor.u32 $0xD0000000, s2;
	s6 =	simm.s32 $0x108;
	_ =	swait.ge @!p0 [sflag:s8], $0x0  }
0x24: {  	s3 =	sadd.s32 $0x88, s3;
	s6 =	simm.s32 @!p1 $0x1082;
	[sflag:s4] =	ssyncset.s32 $0xFFFFF086  }
0x25: {  	[simem:s6], [sflag:s4] =	dma.local [hbm:s3], $0xF7A  }
0x26: {  	[smem:$0x3F9D] =	sst s1;
	(tag) =	ssettag s2;
	_ =	strace s9  }
0x27: {  	s1 =	sld [smem:$0x3FAD]  }
0x28: {  	s2 =	sld [smem:$0x3FAE]  }
0x29: {  	s4 =	sld [smem:$0x3FB0]  }
0x2a: {  	p0 =	seq.s32 s5, $0x0;
	s5 =	sld [smem:$0x3FB1]  }
0x2b: {  	s6 =	sld [smem:$0x3FB2]  }
0x2c: {  	s7 =	sld [smem:$0x3FB3]  }
0x2d: {  	s3 =	simm.s32 $0x108;
	s8 =	sld [smem:$0x3FB4]  }
0x2e: {  	s3 =	simm.s32 @!p0 $0x1082;
	s9 =	sld [smem:$0x3FB5]  }
0x2f: {  	lr =	sadd.s32 s0, s3;
	s0 =	sld [smem:$0x3FAC]  }
0x30: {  	s3 =	sld [smem:$0x3FAF]  }
0x31: {  	[smem:$0x3FB8] =	sst s10  }
0x32: {  	s10 =	sld [smem:$0x3FB6];
	_ =	sdelay $0x3  }
0x33: {  	p0 =	seq.s32 s10, $0x1;
	s10 =	sld [smem:$0x3FB8];
	_ =	sdelay $0x3  }
0x34: {  	[smem:$0x3FB8] =	sst s10  }
0x35: {  	s10 =	sld [smem:$0x3FB7];
	_ =	sdelay $0x3  }
0x36: {  	p1 =	seq.s32 s10, $0x1;
	s10 =	sld [smem:$0x3FB8];
	_ =	sdelay $0x3  }
0x37: {  	[smem:$0x3FB8] =	sst s10  }
0x38: {  	s10 =	sld [smem:$0x3FB9]  }
0x39: {  	_ = 	snop;
	(pc) =	sbr.ind lr, $3  }
0x3a: {  	_ = 	snop  }
0x3b: {  	_ = 	snop  }
0x3c: {  	p2 =	seq.s32 s10, $0x1;
	s10 =	sld [smem:$0x3FB8]  }
0x3d: {  	_ =	shalt  }
0x3e: {  	_ =	shalt  }
0x3f: {  	_ =	shalt  }
0x40: {  	_ =	shalt  }
0x41: {  	_ =	shalt  }
0x42: {  	_ =	shalt  }
0x43: {  	_ =	shalt  }
0x44: {  	_ =	shalt  }
0x45: {  	_ =	shalt  }
0x46: {  	_ =	shalt  }
0x47: {  	_ =	shalt  }
0x48: {  	_ =	shalt  }
0x49: {  	_ =	shalt  }
0x4a: {  	_ =	shalt  }
0x4b: {  	_ =	shalt  }
0x4c: {  	_ =	shalt  }
0x4d: {  	_ =	shalt  }
0x4e: {  	_ =	shalt  }
0x4f: {  	_ =	shalt  }
0x50: {  	_ =	shalt  }
0x51: {  	_ =	shalt  }
0x52: {  	_ =	shalt  }
0x53: {  	_ =	shalt  }
0x54: {  	_ =	shalt  }
0x55: {  	_ =	shalt  }
0x56: {  	_ =	shalt  }
0x57: {  	_ =	shalt  }
0x58: {  	_ =	shalt  }
0x59: {  	_ =	shalt  }
0x5a: {  	_ =	shalt  }
0x5b: {  	_ =	shalt  }
0x5c: {  	_ =	shalt  }
0x5d: {  	_ =	shalt  }
0x5e: {  	_ =	shalt  }
0x5f: {  	_ =	shalt  }
0x60: {  	_ =	shalt  }
0x61: {  	_ =	shalt  }
0x62: {  	_ =	shalt  }
0x63: {  	_ =	shalt  }
0x64: {  	_ =	shalt  }
0x65: {  	_ =	shalt  }
0x66: {  	_ =	shalt  }
0x67: {  	_ =	shalt  }
0x68: {  	_ =	shalt  }
0x69: {  	_ =	shalt  }
0x6a: {  	_ =	shalt  }
0x6b: {  	_ =	shalt  }
0x6c: {  	_ =	shalt  }
0x6d: {  	_ =	shalt  }
0x6e: {  	_ =	shalt  }
0x6f: {  	_ =	shalt  }
0x70: {  	_ =	shalt  }
0x71: {  	_ =	shalt  }
0x72: {  	_ =	shalt  }
0x73: {  	_ =	shalt  }
0x74: {  	_ =	shalt  }
0x75: {  	_ =	shalt  }
0x76: {  	_ =	shalt  }
0x77: {  	_ =	shalt  }
0x78: {  	_ =	shalt  }
0x79: {  	_ =	shalt  }
0x7a: {  	_ =	shalt  }
0x7b: {  	_ =	shalt  }
0x7c: {  	_ =	shalt  }
0x7d: {  	_ =	shalt  }
0x7e: {  	_ =	shalt  }
0x7f: {  	_ =	shalt  }
0x80: {  	_ =	shalt  }
0x81: {  	_ =	shalt  }
0x82: {  	_ =	shalt  }
0x83: {  	_ =	shalt  }
0x84: {  	_ =	shalt  }
0x85: {  	_ =	shalt  }
0x86: {  	_ =	shalt  }
0x87: {  	_ =	shalt  }
.Lfunc_end0:
.L_simem_size_0:
called_computation.1_lowered:
.L_overlay_start_0:
0x88: {  	s2 =	sld [smem:$0x3FD9]  }
0x89: {  	s3 =	sld [smem:$0x3FFE];
	_ =	sdelay $0x1  }
0x8a: {  	s1 =	srdreg.scid  }
0x8b: {  	s0 =	sand.u32 $0x1, s1  }
0x8c: {  	s15 =	sshll.u32 s0, $0xA;
	s2 =	sadd.s32 s3, s2  }
0x8d: {  	s2 =	sadd.s32 s2, s15  }
0x8e: {  	[smem:$0x3FC4] =	sst s2  }
0x8f: {  	_ = 	snop  }
0x90: {  	s2 =	sld [smem:$0x3FD0];
	_ =	sdelay $0x2  }
0x91: {  	s4 =	simm.s32 $0xA;
	s5 =	simm.s32 $0x10;
	s16 =	sld [smem:$0x3FC6]  }
0x92: {  	[smem:s5], [sflag:s4] =	dma.local [hbm:s2], $0x1  }
0x93: {  	_ =	swait.eq [sflag:s4], $0x1  }
0x94: {  	[sflag:s4] =	ssyncset.done $0x0  }
0x95: {  	s17 =	sld [smem:$0x10];
	[sflag:s4] =	ssyncadd.s32 $0xFFFFFFFF  }
0x96: {  	s18 =	sld [smem:$0x11];
	(tm) =	ssettm $0x1  }
0x97: {  	s19 =	sld [smem:$0x3FFB];
	_ =	sdelay $0x3  }
0x98: {  	_ =	strace s19  }
0x99: {  	s5 =	sld [smem:$0x3FFC];
	_ =	sdelay $0x3  }
0x9a: {  	_ =	strace s5  }
0x9b: {  	s5 =	sld [smem:$0x3FFD];
	_ =	sdelay $0x3  }
0x9c: {  	_ =	strace s5  }
0x9d: {  	_ =	strace $0x8FFFFFFF  }
0x9e: {  	s20 =	sld [smem:$0x3FDB];
	_ =	sdelay $0x1  }
0x9f: {  	s6 =	simm.s32 $_scs_section_size  }
0xa0: {  	s7 =	simm.s32 $_size__tile_overlayer_lowered;
	s8 =	simm.s32 $_tile_overlayer_lowered  }
0xa1: {  	s23 =	simm.s32 $0x1BFF;
	s22 =	sshll.u32 s8, $0x1;
	s5 =	sadd.s32 s6, s20  }
0xa2: {  	s9 =	simm.s32 $0x0;
	s21 =	sshll.u32 s7, $0x1;
	s7 =	sadd.s32 s22, s5  }
0xa3: {  	[timem:s9], [sflag:s23] =	dma.local [hbm:s7], s21  }
0xa4: {  	_ =	swait.ge [sflag:s23], s21  }
0xa5: {  	s6 =	ssub.s32 $0x0, s21;
	[sflag:s23] =	ssyncset.done $0x0  }
0xa6: {  	[sflag:s23] =	ssyncadd.s32 s6;
	_ =	sdelay $0x1  }
0xa7: {  	s24 =	simm.s32 $0x1B8B  }
0xa8: {  	_ =	swait.ge [sflag:s24], $0x1  }
0xa9: {  	[sflag:s24] =	ssyncset.done $0x0  }
0xaa: {  	s25 =	simm.s32 $0x1B8E;
	[sflag:s24] =	ssyncadd.s32 $0xFFFFFFFF  }
0xab: {  	s26 =	simm.s32 $execute0_lowered;
	[smem:$0x3FD2] =	sst s25  }
0xac: {  	s6 =	sshll.u32 s26, $0x1;
	_ =	strace $0x8000004F;
	[dreg:$0x1] =	wrdreg $0xFFFFFFFF  }
0xad: {  	s28 =	simm.s32 $_size_execute0_lowered;
	s5 =	sadd.s32 s5, s6;
	[dreg:$0x0] =	wrdreg $0x0  }
0xae: {  	s6 =	sshll.u32 s28, $0x1;
	[dreg:$0x2] =	wrdreg s5  }
0xaf: {  	[dreg:$0x3] =	wrdreg s6  }
0xb0: {  	[dreg:$0x4] =	wrdreg $0xC0  }
0xb1: {  	_ =	task [dreg:s9], $0x5FFFF  }
0xb2: {  	[dreg:$0x1] =	wrdreg $0xFFFFFFFF  }
0xb3: {  	[dreg:$0x0] =	wrdreg $0x60  }
0xb4: {  	[dreg:$0x2] =	wrdreg s16  }
0xb5: {  	[dreg:$0x3] =	wrdreg s18  }
0xb6: {  	[dreg:$0x4] =	wrdreg s17  }
0xb7: {  	[dreg:$0x5] =	wrdreg $0x9  }
0xb8: {  	_ =	task.clear_ibuf [dreg:s9], $0x6FFFF;
	_ =	strace $0x9000004F  }
0xb9: {  	s29 =	simm.s32 $0x9;
	_ =	strace $0x80000051  }
0xba: {  	_ =	swait.ge [sflag:s29], $0x1  }
0xbb: {  	[sflag:s29] =	ssyncadd.s32 $0xFFFFFFFF  }
0xbc: {  	_ =	strace $0x90000051  }
0xbd: {  	_ =	sfence  }
0xbe: {  	s30 =	sld [smem:$0x0];
	_ =	sdelay $0x2  }
0xbf: {  	s31 =	sshll.u32 s1, $0xD;
	s1 =	sshrl.u32 s1, $0x2  }
0xc0: {  	s3 =	sand.u32 $0x4000, s31;
	s1 =	sadd.s32 s1, s30  }
0xc1: {  	s0 =	sor.u32 s3, s0;
	s1 =	sshll.u32 s1, $0x11  }
0xc2: {  	s0 =	sor.u32 s1, s0  }
0xc3: {  	s0 =	sadd.s32 $0x8F2B, s0  }
0xc4: {  	[sflag:s0] =	ssyncadd.remote.s32 $0x1  }
0xc5: {  	_ =	sfence.sel $0xFFFF  }
0xc6: {  	[dreg:$0x0] =	wrdreg $0xFFFFFFFF;
	(pc) =	sbr.abs _section_cstart, $3  }
0xc7: {  	[dreg:$0x1] =	wrdreg $0xFFFFFFFF  }
0xc8: {  	_ =	task.clear_ibuf [dreg:s9], $0x2FFFF;
	_ =	strace $0x9FFFFFFF  }
0xc9: {  	(tm) =	ssettm $0x7FFFFFFF  }
tec
execute0_lowered:
.L_overlay_start_1:
0x0: {  	(tag) =	ssettag $0x1  }
0x1: {  	s2 =	rddreg [dreg:$0x0]  }
0x2: {  	s3 =	rddreg [dreg:$0x1]  }
0x3: {  	s4 =	rddreg [dreg:$0x2];
	s1 =	stileid.u32  }
0x4: {  	s5 =	srdreg.scid;
	s0 =	rddreg [dreg:$0x3]  }
0x5: {  	_ =	strace $0x80000050;
	s8 =	simm.s32 $0x1;
	s9 =	simm.s32 $0x1  }
0x6: {  	s10 =	simm.s32 $0x3;
	s6 =	sand.u32 $0x1, s5;
	s7 =	sshll.u32 s1, $0x1  }
0x7: {  	s13 =	simm.s32 $0x0;
	s5 =	simm.s32 $0x1;
	s6 =	sor.u32 s7, s6  }
.Ltmp0:
0x8: {  	[sflag:s5] =	ssyncpa.u1 $0x0;
	p0 =	slt.u32 s6, $0x13;
	(pc) =	sbr.rel .LBB2_1-.Ltmp0, $4  }
0x9: {  	s7 =	simm.s32 $0x2;
	s8 =	simm.s32 @!p0 $0x0;
	p0 =	sne.s32 s6, $0x12  }
0xa: {  	[sflag:s7] =	ssyncpa.u1 $0x0;
	s6 =	smul.u32 $0x190, s6;
	s9 =	simm.s32 @!p0 $0x0  }
0xb: {  	s12 =	simm.s32 $0x0;
	[sflag:s10] =	ssyncpa.u1 $0x0;
	s8 =	sadd.s32 s9, s8  }
0xc: {  	vm0 =	vmmov $0xffff;
	s10 =	simm.s32 $0x0;
	s11 =	smov.u32 s6;
	s9 =	sadd.s32 $0x1, s8  }
.LBB2_4:
0xd: {  	v2 =	vnsel vm1, $0x0, v2  }
0xe: {  	vm1 =	vgt.s32 v0, $0x0;
	v2 =	vmin.u32 v2, $0x1869F  }
0xf: {  	v0 =	vnsel vm1, $0x0, v0  }
0x10: {  	v0 =	vmin.u32 v0, $0x1869F  }
0x11: {  	[tilespmem:s18], [sflag:$0x1] =	stream.indirect_vreg.gather [hbm4b:s2+s10], $0x1, v1, vm0, $0x4038;
	[tilespmem:$0x640] =	vst v63  }
0x12: {  	(ifvalue) =	ssetifvalue $0x7FFFFFFF  }
0x13: {  	[tilespmem:s15], [sflag:$0x1] =	stream.indirect_vreg.gather [hbm4b:s2+s10], $0x1, v2, vm0, $0x4038;
	[tilespmem:$0x640] =	vst v63  }
0x14: {  	s29 =	sadd.s32 $0x10, s15;
	(ifvalue) =	ssetifvalue $0x7FFFFFFF  }
0x15: {  	[tilespmem:s29], [sflag:$0x1] =	stream.indirect_vreg.gather [hbm4b:s2+s10], $0x1, v0, vm0, $0x4038;
	[tilespmem:$0x640] =	vst v63  }
0x16: {  	_ =	swait.ge [sflag:s5], $0x190  }
0x17: {  	s30 =	sshrl.u32 s13, $0x3;
	[sflag:s5] =	ssyncset.done $0x0  }
0x18: {  	s31 =	sand.u32 $0x7, s13;
	s15 =	sadd.s32 s4, s30;
	[sflag:s5] =	ssyncadd.s32 $0xFFFFFE70  }
0x19: {  	[hbm4b:s15+s31] =	stream.linear.scatter [tilespmem:s14], [sflag:$0x3], $0x190, $0x38;
	[tilespmem:$0x640] =	vst v63  }
.LBB2_5:
0x1a: {  	s15 =	sadd.s32 $0x3200, s11  }
0x1b: {  	p1 =	sgt.s32 s15, $0x4E1F  }
0x1c: {  	s15 =	smov.u32 @p1 s6;
	p1 =	sne.s32 s12, s9  }
.Ltmp1:
0x1d: {  	p0 =	slt.u32 s12, $0x2;
	(pc) =	sbr.rel @!p1 .LBB2_6-.Ltmp1, $4  }
0x1e: {  	s14 =	simm.s32 @!p0 $0x3  }
0x1f: {  	_ =	swait.ge @!p0 [sflag:s14], $0x190  }
0x20: {  	s16 =	sadd.s32 $0x1, s12;
	s13 =	smov.u32 s11;
	[sflag:s14] =	ssyncset.done @!p0 $0x0  }
0x21: {  	s12 =	smov.u32 s16;
	s11 =	smov.u32 s15;
	[sflag:s14] =	ssyncadd.s32 @!p0 $0xFFFFFE70  }
.LBB2_1:
0x22: {  	p0 =	sge.u32 s12, s8  }
0x23: {  	s14 =	sxor.u32 @!p0 $0x1, s12  }
0x24: {  	s14 =	smul.u32 @!p0 $0x640, s14  }
0x25: {  	s31 =	sadd.s32 $0xFFFFFFFF, s12;
	s15 =	sshrl.u32 @!p0 s11, $0x3  }
0x26: {  	s16 =	sand.u32 @!p0 $0x7, s11;
	s15 =	sadd.s32 @!p0 s3, s15;
	s14 =	sshra.s32 @!p0 s14, $0x2  }
0x27: {  	[tilespmem:s14], [sflag:$0x2] =	stream.linear.gather @!p0 [hbm4b:s15+s16], $0x190, $0x38;
	[tilespmem:$0x640] =	vst v63  }
0x28: {  	p0 =	sge.u32 s31, s8  }
.Ltmp2:
0x29: {  	_ = 	snop;
	(pc) =	sbr.rel @p0 .LBB2_5-.Ltmp2, $1  }
0x2a: {  	_ =	sdelay $0x3  }
0x2b: {  	s14 =	sand.u32 $0x1, s12  }
0x2c: {  	_ =	swait.ge [sflag:s7], $0x190;
	p0 =	seq.s32 s14, $0x1;
	s14 =	simm.s32 $0x190  }
0x2d: {  	[sflag:s7] =	ssyncset.done $0x0;
	s14 =	simm.s32 @!p0 $0x0  }
0x2e: {  	[sflag:s7] =	ssyncadd.s32 $0xFFFFFE70;
	(ifvalue) =	ssetifvalue $0x7FFFFFFF;
	v0 =	vld.msk [tilespmem:s14+$0x0 ss:$0x1], $0xffff;
	_ =	sdelay $0x4  }
0x2f: {  	s15 =	sadd.s32 $0x10, s14;
	vm1 =	vgt.s32 v0, $0x0  }
0x30: {  	v2 =	vld.msk [tilespmem:s15+$0x0 ss:$0x1], $0xffff;
	v1 =	vnsel vm1, $0x0, v0  }
0x31: {  	v1 =	vmin.u32 v1, $0x1869F;
	_ =	sdelay $0x2  }
0x32: {  	s17 =	simm.s32 $0x20;
	s14 =	sadd.s32 $0x320, s14;
	s16 =	sadd.s32 $0x10, s15  }
0x33: {  	s15 =	sadd.s32 $0x10, s14;
	s18 =	smov.u32 s14;
	v0 =	vld.msk [tilespmem:s16+$0x0 ss:$0x1], $0xffff;
	vm1 =	vgt.s32 v2, $0x0;
	(ifvalue) =	ssetifvalue $0x7FFFFFFF  }
.LBB2_3:
0x34: {  	[tilespmem:s18], [sflag:$0x1] =	stream.indirect_vreg.gather [hbm4b:s2+s10], $0x1, v1, vm0, $0x4038;
	[tilespmem:$0x640] =	vst v63  }
0x35: {  	s17 =	sadd.s32 $0x10, s17  }
0x36: {  	v2 =	vnsel vm1, $0x0, v2;
	p0 =	slt.u32 s17, $0x180  }
.Ltmp3:
0x37: {  	s18 =	smov.u32 s15;
	v1 =	vmin.u32 v2, $0x1869F;
	(pc) =	sbr.rel @p0 .LBB2_3-.Ltmp3, $3  }
0x38: {  	_ =	sdelay $0x1  }
0x39: {  	s16 =	sadd.s32 $0x10, s16  }
0x3a: {  	vm1 =	vgt.s32 v0, $0x0;
	s15 =	sadd.s32 $0x10, s15;
	v2 =	vmov v0;
	(ifvalue) =	ssetifvalue $0x7FFFFFFF;
	v0 =	vld.msk [tilespmem:s16+$0x0 ss:$0x1], $0xffff  }
.Ltmp4:
0x3b: {  	_ = 	snop;
	(pc) =	sbr.rel .LBB2_4-.Ltmp4, $1  }
0x3c: {  	_ =	sdelay $0x3  }
.LBB2_6:
0x3d: {  	_ =	sfence.sel $0x180000  }
0x3e: {  	s2 =	simm.s32 $0x2;
	[bflag:$0x0] =	sbarrier.arrive $0xFFFF  }
0x3f: {  	s30 =	simm.s32 $0x3;
	[sflag:s2] =	ssyncpa.u1 $0x1  }
0x40: {  	s31 =	simm.s32 $0x1;
	[sflag:s30] =	ssyncpa.u1 $0x1  }
0x41: {  	[sflag:s31] =	ssyncpa.u1 $0x1  }
0x42: {  	p0 =	sne.s32 s1, $0x0;
	_ =	strace $0x90000050  }
0x43: {  	s0 =	sadd.s32 @!p0 $0x100000, s0;
	[bflag:$0x2] =	sbarrier.arrive $0xFFFF  }
0x44: {  	[sflag:s0] =	ssyncadd.tile.s32 @!p0 $0x1;
	_ =	shalt  }
.Lfunc_end2:
_tile_overlayer_lowered:
.L_overlay_start_2:
0x45: {  	(tag) =	ssettag $0x2  }
0x46: {  	s0 =	rddreg [dreg:$0x0];
	s2 =	stileid.u32  }
0x47: {  	s1 =	rddreg [dreg:$0x1];
	p0 =	sne.s32 s2, $0x0  }
0x48: {  	s3 =	rddreg [dreg:$0x2];
	[bflag:$0x3] =	sbarrier.arrive $0xFFFF;
	s2 =	simm.s32 @!p0 $0x1C01  }
0x49: {  	[timem:s3], [sflag:s2] =	dma.local @!p0 [hbm:s0], s1  }
0x4a: {  	s0 =	simm.s32 @!p0 $0x1  }
0x4b: {  	_ =	swait.ge @!p0 [sflag:s0], s1  }
0x4c: {  	s1 =	ssub.s32 @!p0 $0x0, s1;
	[sflag:s0] =	ssyncset.done @!p0 $0x0  }
0x4d: {  	[sflag:s0] =	ssyncadd.s32 @!p0 s1  }
0x4e: {  	[bflag:$0x3] =	sbarrier.arrive $0xFFFF  }
0x4f: {  	_ =	shalt  }

// kernel: gather_offload_async_start.2
scs
__scs_entry_jumppad:
0x0: {  	(pc) =	sbr.rel $0x88, $3  }
0x1: {  	(tag) =	ssettag $0x0;
	lr =	simm.s32 $0x1  }
0x2: {  	[smem:$0x3F9D] =	sst lr;
	_ =	strace $0xD0000000  }
0x3: {  	_ = 	snop  }
0x4: {  	_ = 	snop  }
0x5: {  	_ = 	snop  }
0x6: {  	_ = 	snop  }
0x7: {  	_ = 	snop  }
__scs_overlays_trampoline_lowered:
0x8: {  	[smem:$0x3FAC] =	sst s0  }
0x9: {  	[smem:$0x3FAD] =	sst s1  }
0xa: {  	[smem:$0x3FAE] =	sst s2  }
0xb: {  	[smem:$0x3FAF] =	sst s3  }
0xc: {  	[smem:$0x3FB0] =	sst s4  }
0xd: {  	[smem:$0x3FB1] =	sst s5  }
0xe: {  	[smem:$0x3FB2] =	sst s6  }
0xf: {  	[smem:$0x3FB3] =	sst s7  }
0x10: {  	[smem:$0x3FB4] =	sst s8  }
0x11: {  	[smem:$0x3FB5] =	sst s9;
	s0 =	simm.s32 @!p0 $0x0  }
0x12: {  	s1 =	sld [smem:$0x3F9B];
	s0 =	simm.s32 @p0 $0x1  }
0x13: {  	[smem:$0x3FB6] =	sst s0;
	s0 =	simm.s32 @!p1 $0x0  }
0x14: {  	s2 =	sld [smem:$0x3F9A];
	s0 =	simm.s32 @p1 $0x1  }
0x15: {  	[smem:$0x3FB7] =	sst s0;
	s0 =	simm.s32 @!p2 $0x0  }
0x16: {  	s3 =	sld [smem:$0x3FDB];
	s0 =	simm.s32 @p2 $0x1  }
0x17: {  	s4 =	simm.s32 $0x1BF5;
	[smem:$0x3FB9] =	sst s0  }
0x18: {  	s0 =	sld [smem:$0x3F9C];
	_ =	swait.ge [sflag:s4], $0x0  }
0x19: {  	s7 =	sld [smem:$0x3F9D]  }
0x1a: {  	s8 =	sadd.s32 $0xFFFFE003, lr  }
0x1b: {  	s9 =	sadd.s32 $0xFFFFFEF7, lr;
	s5 =	simm.s32 $0xFFFFFFFF;
	p2 =	slt.u32 s8, $0xFFFFF086  }
0x1c: {  	p1 =	slt.u32 s9, $0xF7A;
	s5 =	simm.s32 @!p2 $0x0  }
0x1d: {  	s5 =	simm.s32 @p1 $0x1;
	p0 =	seq.s32 s7, s2  }
0x1e: {  	s7 =	smul.u32 @!p0 $0xF7A, s2;
	p2 =	seq.s32 @!p0 s5, $0x0  }
0x1f: {  	s9 =	smul.u32 $0xF7A, s1;
	s8 =	simm.s32 @!p0 $0x1BF5;
	p2 =	por !p2, p0  }
0x20: {  	[sflag:s8] =	ssyncset.s32 @!p0 $0xFFFFF086;
	s6 =	sadd.s32 @!p0 s3, s7;
	s7 =	simm.s32 @!p0 $0x108  }
0x21: {  	s3 =	sadd.s32 s3, s9;
	s6 =	sadd.s32 @!p0 $0x88, s6;
	s7 =	simm.s32 @p2 $0x1082  }
0x22: {  	[simem:s7], [sflag:s8] =	dma.local @!p0 [hbm:s6], $0xF7A  }
0x23: {  	s9 =	sor.u32 $0xD0000000, s2;
	s6 =	simm.s32 $0x108;
	_ =	swait.ge @!p0 [sflag:s8], $0x0  }
0x24: {  	s3 =	sadd.s32 $0x88, s3;
	s6 =	simm.s32 @!p1 $0x1082;
	[sflag:s4] =	ssyncset.s32 $0xFFFFF086  }
0x25: {  	[simem:s6], [sflag:s4] =	dma.local [hbm:s3], $0xF7A  }
0x26: {  	[smem:$0x3F9D] =	sst s1;
	(tag) =	ssettag s2;
	_ =	strace s9  }
0x27: {  	s1 =	sld [smem:$0x3FAD]  }
0x28: {  	s2 =	sld [smem:$0x3FAE]  }
0x29: {  	s4 =	sld [smem:$0x3FB0]  }
0x2a: {  	p0 =	seq.s32 s5, $0x0;
	s5 =	sld [smem:$0x3FB1]  }
0x2b: {  	s6 =	sld [smem:$0x3FB2]  }
0x2c: {  	s7 =	sld [smem:$0x3FB3]  }
0x2d: {  	s3 =	simm.s32 $0x108;
	s8 =	sld [smem:$0x3FB4]  }
0x2e: {  	s3 =	simm.s32 @!p0 $0x1082;
	s9 =	sld [smem:$0x3FB5]  }
0x2f: {  	lr =	sadd.s32 s0, s3;
	s0 =	sld [smem:$0x3FAC]  }
0x30: {  	s3 =	sld [smem:$0x3FAF]  }
0x31: {  	[smem:$0x3FB8] =	sst s10  }
0x32: {  	s10 =	sld [smem:$0x3FB6];
	_ =	sdelay $0x3  }
0x33: {  	p0 =	seq.s32 s10, $0x1;
	s10 =	sld [smem:$0x3FB8];
	_ =	sdelay $0x3  }
0x34: {  	[smem:$0x3FB8] =	sst s10  }
0x35: {  	s10 =	sld [smem:$0x3FB7];
	_ =	sdelay $0x3  }
0x36: {  	p1 =	seq.s32 s10, $0x1;
	s10 =	sld [smem:$0x3FB8];
	_ =	sdelay $0x3  }
0x37: {  	[smem:$0x3FB8] =	sst s10  }
0x38: {  	s10 =	sld [smem:$0x3FB9]  }
0x39: {  	_ = 	snop;
	(pc) =	sbr.ind lr, $3  }
0x3a: {  	_ = 	snop  }
0x3b: {  	_ = 	snop  }
0x3c: {  	p2 =	seq.s32 s10, $0x1;
	s10 =	sld [smem:$0x3FB8]  }
0x3d: {  	_ =	shalt  }
0x3e: {  	_ =	shalt  }
0x3f: {  	_ =	shalt  }
0x40: {  	_ =	shalt  }
0x41: {  	_ =	shalt  }
0x42: {  	_ =	shalt  }
0x43: {  	_ =	shalt  }
0x44: {  	_ =	shalt  }
0x45: {  	_ =	shalt  }
0x46: {  	_ =	shalt  }
0x47: {  	_ =	shalt  }
0x48: {  	_ =	shalt  }
0x49: {  	_ =	shalt  }
0x4a: {  	_ =	shalt  }
0x4b: {  	_ =	shalt  }
0x4c: {  	_ =	shalt  }
0x4d: {  	_ =	shalt  }
0x4e: {  	_ =	shalt  }
0x4f: {  	_ =	shalt  }
0x50: {  	_ =	shalt  }
0x51: {  	_ =	shalt  }
0x52: {  	_ =	shalt  }
0x53: {  	_ =	shalt  }
0x54: {  	_ =	shalt  }
0x55: {  	_ =	shalt  }
0x56: {  	_ =	shalt  }
0x57: {  	_ =	shalt  }
0x58: {  	_ =	shalt  }
0x59: {  	_ =	shalt  }
0x5a: {  	_ =	shalt  }
0x5b: {  	_ =	shalt  }
0x5c: {  	_ =	shalt  }
0x5d: {  	_ =	shalt  }
0x5e: {  	_ =	shalt  }
0x5f: {  	_ =	shalt  }
0x60: {  	_ =	shalt  }
0x61: {  	_ =	shalt  }
0x62: {  	_ =	shalt  }
0x63: {  	_ =	shalt  }
0x64: {  	_ =	shalt  }
0x65: {  	_ =	shalt  }
0x66: {  	_ =	shalt  }
0x67: {  	_ =	shalt  }
0x68: {  	_ =	shalt  }
0x69: {  	_ =	shalt  }
0x6a: {  	_ =	shalt  }
0x6b: {  	_ =	shalt  }
0x6c: {  	_ =	shalt  }
0x6d: {  	_ =	shalt  }
0x6e: {  	_ =	shalt  }
0x6f: {  	_ =	shalt  }
0x70: {  	_ =	shalt  }
0x71: {  	_ =	shalt  }
0x72: {  	_ =	shalt  }
0x73: {  	_ =	shalt  }
0x74: {  	_ =	shalt  }
0x75: {  	_ =	shalt  }
0x76: {  	_ =	shalt  }
0x77: {  	_ =	shalt  }
0x78: {  	_ =	shalt  }
0x79: {  	_ =	shalt  }
0x7a: {  	_ =	shalt  }
0x7b: {  	_ =	shalt  }
0x7c: {  	_ =	shalt  }
0x7d: {  	_ =	shalt  }
0x7e: {  	_ =	shalt  }
0x7f: {  	_ =	shalt  }
0x80: {  	_ =	shalt  }
0x81: {  	_ =	shalt  }
0x82: {  	_ =	shalt  }
0x83: {  	_ =	shalt  }
0x84: {  	_ =	shalt  }
0x85: {  	_ =	shalt  }
0x86: {  	_ =	shalt  }
0x87: {  	_ =	shalt  }
.Lfunc_end0:
.L_simem_size_0:
called_computation.2_lowered:
.L_overlay_start_0:
0x88: {  	s2 =	sld [smem:$0x3FD9]  }
0x89: {  	s3 =	sld [smem:$0x3FFE];
	_ =	sdelay $0x1  }
0x8a: {  	s1 =	srdreg.scid  }
0x8b: {  	s0 =	sand.u32 $0x1, s1  }
0x8c: {  	s14 =	sshll.u32 s0, $0xA;
	s2 =	sadd.s32 s3, s2  }
0x8d: {  	s2 =	sadd.s32 s2, s14  }
0x8e: {  	[smem:$0x3FC4] =	sst s2  }
0x8f: {  	_ = 	snop  }
0x90: {  	s2 =	sld [smem:$0x3FD0];
	_ =	sdelay $0x2  }
0x91: {  	s4 =	simm.s32 $0xA;
	s5 =	simm.s32 $0x10;
	s15 =	sld [smem:$0x3FC7]  }
0x92: {  	[smem:s5], [sflag:s4] =	dma.local [hbm:s2], $0x1  }
0x93: {  	_ =	swait.eq [sflag:s4], $0x1  }
0x94: {  	[sflag:s4] =	ssyncset.done $0x0  }
0x95: {  	[sflag:s4] =	ssyncadd.s32 $0xFFFFFFFF  }
0x96: {  	s16 =	sld [smem:$0x10];
	(tm) =	ssettm $0x1  }
0x97: {  	s17 =	sld [smem:$0x3FFB];
	_ =	sdelay $0x3  }
0x98: {  	_ =	strace s17  }
0x99: {  	s4 =	sld [smem:$0x3FFC];
	_ =	sdelay $0x3  }
0x9a: {  	_ =	strace s4  }
0x9b: {  	s4 =	sld [smem:$0x3FFD];
	_ =	sdelay $0x3  }
0x9c: {  	_ =	strace s4  }
0x9d: {  	_ =	strace $0x8FFFFFFF  }
0x9e: {  	s18 =	sld [smem:$0x3FDB];
	_ =	sdelay $0x1  }
0x9f: {  	s19 =	simm.s32 $_scs_section_size  }
0xa0: {  	s6 =	simm.s32 $_size__tile_overlayer_lowered;
	s7 =	simm.s32 $_tile_overlayer_lowered  }
0xa1: {  	s22 =	simm.s32 $0x1BFF;
	s21 =	sshll.u32 s7, $0x1;
	s4 =	sadd.s32 s19, s18  }
0xa2: {  	s8 =	simm.s32 $0x0;
	s20 =	sshll.u32 s6, $0x1;
	s6 =	sadd.s32 s21, s4  }
0xa3: {  	[timem:s8], [sflag:s22] =	dma.local [hbm:s6], s20  }
0xa4: {  	_ =	swait.ge [sflag:s22], s20  }
0xa5: {  	s5 =	ssub.s32 $0x0, s20;
	[sflag:s22] =	ssyncset.done $0x0  }
0xa6: {  	[sflag:s22] =	ssyncadd.s32 s5;
	_ =	sdelay $0x1  }
0xa7: {  	s23 =	simm.s32 $0x1B8B  }
0xa8: {  	_ =	swait.ge [sflag:s23], $0x1  }
0xa9: {  	[sflag:s23] =	ssyncset.done $0x0  }
0xaa: {  	s25 =	simm.s32 $0x1B8E;
	s24 =	sld [smem:$0x3FFE];
	[sflag:s23] =	ssyncadd.s32 $0xFFFFFFFF  }
0xab: {  	s26 =	simm.s32 $execute0_lowered;
	[smem:$0x3FD2] =	sst s25  }
0xac: {  	s6 =	sshll.u32 s26, $0x1;
	_ =	strace $0x80000046;
	[dreg:$0x1] =	wrdreg $0xFFFFFFFF  }
0xad: {  	s28 =	simm.s32 $_size_execute0_lowered;
	s4 =	sadd.s32 s4, s6;
	[dreg:$0x0] =	wrdreg $0x0  }
0xae: {  	s6 =	sshll.u32 s28, $0x1;
	[dreg:$0x2] =	wrdreg s4  }
0xaf: {  	[dreg:$0x3] =	wrdreg s6  }
0xb0: {  	[dreg:$0x4] =	wrdreg $0xC0  }
0xb1: {  	_ =	task [dreg:s8], $0x5FFFF  }
0xb2: {  	[dreg:$0x1] =	wrdreg $0xFFFFFFFF  }
0xb3: {  	[dreg:$0x0] =	wrdreg $0x60  }
0xb4: {  	[dreg:$0x2] =	wrdreg s15  }
0xb5: {  	[dreg:$0x3] =	wrdreg s16  }
0xb6: {  	[dreg:$0x4] =	wrdreg s24  }
0xb7: {  	[dreg:$0x5] =	wrdreg $0x9  }
0xb8: {  	_ =	task.clear_ibuf [dreg:s8], $0x6FFFF;
	_ =	strace $0x90000046  }
0xb9: {  	s29 =	simm.s32 $0x9;
	_ =	strace $0x80000048  }
0xba: {  	_ =	swait.ge [sflag:s29], $0x1  }
0xbb: {  	[sflag:s29] =	ssyncadd.s32 $0xFFFFFFFF  }
0xbc: {  	_ =	strace $0x90000048  }
0xbd: {  	_ =	sfence  }
0xbe: {  	s30 =	sld [smem:$0x0];
	_ =	sdelay $0x2  }
0xbf: {  	s31 =	sshll.u32 s1, $0xD;
	s1 =	sshrl.u32 s1, $0x2  }
0xc0: {  	s3 =	sand.u32 $0x4000, s31;
	s1 =	sadd.s32 s1, s30  }
0xc1: {  	s0 =	sor.u32 s3, s0;
	s1 =	sshll.u32 s1, $0x11  }
0xc2: {  	s0 =	sor.u32 s1, s0  }
0xc3: {  	s0 =	sadd.s32 $0x8F2B, s0  }
0xc4: {  	[sflag:s0] =	ssyncadd.remote.s32 $0x1  }
0xc5: {  	_ =	sfence.sel $0xFFFF  }
0xc6: {  	[dreg:$0x0] =	wrdreg $0xFFFFFFFF;
	(pc) =	sbr.abs _section_cstart, $3  }
0xc7: {  	[dreg:$0x1] =	wrdreg $0xFFFFFFFF  }
0xc8: {  	_ =	task.clear_ibuf [dreg:s8], $0x2FFFF;
	_ =	strace $0x9FFFFFFF  }
0xc9: {  	(tm) =	ssettm $0x7FFFFFFF  }
tec
execute0_lowered:
.L_overlay_start_1:
0x0: {  	(tag) =	ssettag $0x1  }
0x1: {  	s1 =	srdreg.scid  }
0x2: {  	s2 =	rddreg [dreg:$0x0];
	s0 =	stileid.u32;
	s1 =	sshll.u32 s1, $0x5  }
0x3: {  	s3 =	rddreg [dreg:$0x1];
	s5 =	sshll.u32 s0, $0x6;
	s1 =	sand.u32 $0x20, s1  }
0x4: {  	s4 =	rddreg [dreg:$0x2];
	s7 =	simm.s32 $0x1;
	s5 =	sor.u32 s5, s1  }
0x5: {  	s30 =	simm.s32 $0x2;
	s31 =	simm.s32 $0x3;
	s6 =	ssub.s32 $0x800, s5  }
0x6: {  	s11 =	simm.s32 $0x0;
	s9 =	simm.s32 $0x0;
	s8 =	sand.u32 $0x3E0, s6  }
0x7: {  	s1 =	rddreg [dreg:$0x3];
	_ =	strace $0x80000047;
	p0 =	sne.s32 s8, $0x0  }
0x8: {  	[sflag:s7] =	ssyncpa.u1 $0x0;
	s6 =	sshrl.u32 s6, $0xA;
	s7 =	simm.s32 @!p0 $0x0  }
0x9: {  	s10 =	smov.u32 s5;
	[sflag:s30] =	ssyncpa.u1 $0x0;
	s6 =	sadd.s32 s7, s6  }
0xa: {  	[sflag:s31] =	ssyncpa.u1 $0x0;
	s8 =	simm.s32 $0x0;
	s7 =	sadd.s32 $0x1, s6  }
.LBB2_1:
0xb: {  	p0 =	sge.u32 s9, s6  }
0xc: {  	s31 =	sadd.s32 $0xFFFFFFFF, s9;
	s12 =	sxor.u32 @!p0 $0xFFFFFFFF, s8;
	s13 =	sshrl.u32 @!p0 s10, $0x3  }
0xd: {  	s14 =	sand.u32 @!p0 $0x7, s10;
	s12 =	sand.u32 @!p0 $0x20, s12;
	s13 =	sadd.s32 @!p0 s3, s13  }
0xe: {  	[tilespmem:s12], [sflag:$0x2] =	stream.linear.gather @!p0 [hbm4b:s13+s14], $0x20, $0x38;
	[tilespmem:$0x80] =	vst v63  }
0xf: {  	p0 =	sge.u32 s31, s6  }
0x10: {  	s12 =	simm.s32 @!p0 $0x2  }
0x11: {  	_ =	swait.ge @!p0 [sflag:s12], $0x20  }
0x12: {  	[sflag:s12] =	ssyncset.done @!p0 $0x0  }
0x13: {  	[sflag:s12] =	ssyncadd.s32 @!p0 $0xFFFFFFE0;
	s12 =	sand.u32 @!p0 $0x20, s8  }
0x14: {  	(ifvalue) =	ssetifvalue @!p0 $0x7FFFFFFF;
	v0 =	vld.msk @!p0 [tilespmem:s12+$0x0 ss:$0x1], $0xffff;
	_ =	sdelay $0x4  }
0x15: {  	vm0 =	vgt.s32 @!p0 v0, $0x0  }
0x16: {  	v0 =	vnsel @!p0 vm0, $0x0, v0  }
0x17: {  	v0 =	vmin.u32 @!p0 v0, $0x1869F;
	_ =	sdelay $0x2  }
0x18: {  	s14 =	simm.s32 @!p0 $0x0  }
0x19: {  	s13 =	sor.u32 @!p0 $0x40, s12;
	(ifvalue) =	ssetifvalue @!p0 $0x7FFFFFFF;
	s15 =	sor.u32 @!p0 $0x10, s12;
	vm0 =	vmmov @!p0 $0xffff  }
0x1a: {  	[tilespmem:s13], [sflag:$0x1] =	stream.indirect_vreg.gather @!p0 [hbm4b:s2+s14], $0x1, v0, vm0, $0x4038;
	[tilespmem:$0x80] =	vst v63  }
0x1b: {  	v0 =	vld.msk @!p0 [tilespmem:s15+$0x0 ss:$0x1], $0xffff;
	_ =	sdelay $0x4  }
0x1c: {  	vm1 =	vgt.s32 @!p0 v0, $0x0  }
0x1d: {  	v0 =	vnsel @!p0 vm1, $0x0, v0  }
0x1e: {  	v0 =	vmin.u32 @!p0 v0, $0x1869F;
	_ =	sdelay $0x3  }
0x1f: {  	s12 =	sor.u32 @!p0 $0x50, s12;
	(ifvalue) =	ssetifvalue @!p0 $0x7FFFFFFF  }
0x20: {  	[tilespmem:s12], [sflag:$0x1] =	stream.indirect_vreg.gather @!p0 [hbm4b:s2+s14], $0x1, v0, vm0, $0x4038;
	[tilespmem:$0x80] =	vst v63  }
0x21: {  	s12 =	simm.s32 @!p0 $0x1  }
0x22: {  	_ =	swait.ge @!p0 [sflag:s12], $0x20  }
0x23: {  	s14 =	sshrl.u32 @!p0 s11, $0x3;
	[sflag:s12] =	ssyncset.done @!p0 $0x0  }
0x24: {  	s11 =	sand.u32 @!p0 $0x7, s11;
	[sflag:s12] =	ssyncadd.s32 @!p0 $0xFFFFFFE0;
	s12 =	sadd.s32 @!p0 s4, s14  }
0x25: {  	[hbm4b:s12+s11] =	stream.linear.scatter @!p0 [tilespmem:s13], [sflag:$0x3], $0x20, $0x38;
	[tilespmem:$0x80] =	vst v63  }
0x26: {  	s13 =	sadd.s32 $0x400, s10  }
0x27: {  	p1 =	sgt.s32 s13, $0x7FF  }
0x28: {  	s13 =	smov.u32 @p1 s5;
	p1 =	sne.s32 s9, s7  }
.Ltmp0:
0x29: {  	p0 =	slt.u32 s9, $0x2;
	(pc) =	sbr.rel @p1 .LBB2_1-.Ltmp0, $4  }
0x2a: {  	s12 =	simm.s32 @!p0 $0x3  }
0x2b: {  	_ =	swait.ge @!p0 [sflag:s12], $0x20  }
0x2c: {  	s8 =	sadd.s32 $0x20, s8;
	s11 =	smov.u32 s10;
	[sflag:s12] =	ssyncset.done @!p0 $0x0  }
0x2d: {  	s9 =	sadd.s32 $0x1, s9;
	s10 =	smov.u32 s13;
	[sflag:s12] =	ssyncadd.s32 @!p0 $0xFFFFFFE0  }
0x2e: {  	_ =	sfence.sel $0x180000  }
0x2f: {  	s2 =	simm.s32 $0x2;
	[bflag:$0x0] =	sbarrier.arrive $0xFFFF  }
0x30: {  	s30 =	simm.s32 $0x3;
	[sflag:s2] =	ssyncpa.u1 $0x1  }
0x31: {  	s31 =	simm.s32 $0x1;
	[sflag:s30] =	ssyncpa.u1 $0x1  }
0x32: {  	[sflag:s31] =	ssyncpa.u1 $0x1  }
0x33: {  	p0 =	sne.s32 s0, $0x0;
	_ =	strace $0x90000047  }
0x34: {  	s0 =	sadd.s32 @!p0 $0x100000, s1;
	[bflag:$0x2] =	sbarrier.arrive $0xFFFF  }
0x35: {  	[sflag:s0] =	ssyncadd.tile.s32 @!p0 $0x1;
	_ =	shalt  }
.Lfunc_end2:
_tile_overlayer_lowered:
.L_overlay_start_2:
0x36: {  	(tag) =	ssettag $0x2  }
0x37: {  	s0 =	rddreg [dreg:$0x0];
	s2 =	stileid.u32  }
0x38: {  	s1 =	rddreg [dreg:$0x1];
	p0 =	sne.s32 s2, $0x0  }
0x39: {  	s3 =	rddreg [dreg:$0x2];
	[bflag:$0x3] =	sbarrier.arrive $0xFFFF;
	s2 =	simm.s32 @!p0 $0x1C01  }
0x3a: {  	[timem:s3], [sflag:s2] =	dma.local @!p0 [hbm:s0], s1  }
0x3b: {  	s0 =	simm.s32 @!p0 $0x1  }
0x3c: {  	_ =	swait.ge @!p0 [sflag:s0], s1  }
0x3d: {  	s1 =	ssub.s32 @!p0 $0x0, s1;
	[sflag:s0] =	ssyncset.done @!p0 $0x0  }
0x3e: {  	[sflag:s0] =	ssyncadd.s32 @!p0 s1  }
0x3f: {  	[bflag:$0x3] =	sbarrier.arrive $0xFFFF  }
0x40: {  	_ =	shalt  }

// kernel: gather_offload_async_start.3
scs
__scs_entry_jumppad:
0x0: {  	(pc) =	sbr.rel $0x88, $3  }
0x1: {  	(tag) =	ssettag $0x0;
	lr =	simm.s32 $0x1  }
0x2: {  	[smem:$0x3F9D] =	sst lr;
	_ =	strace $0xD0000000  }
0x3: {  	_ = 	snop  }
0x4: {  	_ = 	snop  }
0x5: {  	_ = 	snop  }
0x6: {  	_ = 	snop  }
0x7: {  	_ = 	snop  }
__scs_overlays_trampoline_lowered:
0x8: {  	[smem:$0x3FAC] =	sst s0  }
0x9: {  	[smem:$0x3FAD] =	sst s1  }
0xa: {  	[smem:$0x3FAE] =	sst s2  }
0xb: {  	[smem:$0x3FAF] =	sst s3  }
0xc: {  	[smem:$0x3FB0] =	sst s4  }
0xd: {  	[smem:$0x3FB1] =	sst s5  }
0xe: {  	[smem:$0x3FB2] =	sst s6  }
0xf: {  	[smem:$0x3FB3] =	sst s7  }
0x10: {  	[smem:$0x3FB4] =	sst s8  }
0x11: {  	[smem:$0x3FB5] =	sst s9;
	s0 =	simm.s32 @!p0 $0x0  }
0x12: {  	s1 =	sld [smem:$0x3F9B];
	s0 =	simm.s32 @p0 $0x1  }
0x13: {  	[smem:$0x3FB6] =	sst s0;
	s0 =	simm.s32 @!p1 $0x0  }
0x14: {  	s2 =	sld [smem:$0x3F9A];
	s0 =	simm.s32 @p1 $0x1  }
0x15: {  	[smem:$0x3FB7] =	sst s0;
	s0 =	simm.s32 @!p2 $0x0  }
0x16: {  	s3 =	sld [smem:$0x3FDB];
	s0 =	simm.s32 @p2 $0x1  }
0x17: {  	s4 =	simm.s32 $0x1BF5;
	[smem:$0x3FB9] =	sst s0  }
0x18: {  	s0 =	sld [smem:$0x3F9C];
	_ =	swait.ge [sflag:s4], $0x0  }
0x19: {  	s7 =	sld [smem:$0x3F9D]  }
0x1a: {  	s8 =	sadd.s32 $0xFFFFE003, lr  }
0x1b: {  	s9 =	sadd.s32 $0xFFFFFEF7, lr;
	s5 =	simm.s32 $0xFFFFFFFF;
	p2 =	slt.u32 s8, $0xFFFFF086  }
0x1c: {  	p1 =	slt.u32 s9, $0xF7A;
	s5 =	simm.s32 @!p2 $0x0  }
0x1d: {  	s5 =	simm.s32 @p1 $0x1;
	p0 =	seq.s32 s7, s2  }
0x1e: {  	s7 =	smul.u32 @!p0 $0xF7A, s2;
	p2 =	seq.s32 @!p0 s5, $0x0  }
0x1f: {  	s9 =	smul.u32 $0xF7A, s1;
	s8 =	simm.s32 @!p0 $0x1BF5;
	p2 =	por !p2, p0  }
0x20: {  	[sflag:s8] =	ssyncset.s32 @!p0 $0xFFFFF086;
	s6 =	sadd.s32 @!p0 s3, s7;
	s7 =	simm.s32 @!p0 $0x108  }
0x21: {  	s3 =	sadd.s32 s3, s9;
	s6 =	sadd.s32 @!p0 $0x88, s6;
	s7 =	simm.s32 @p2 $0x1082  }
0x22: {  	[simem:s7], [sflag:s8] =	dma.local @!p0 [hbm:s6], $0xF7A  }
0x23: {  	s9 =	sor.u32 $0xD0000000, s2;
	s6 =	simm.s32 $0x108;
	_ =	swait.ge @!p0 [sflag:s8], $0x0  }
0x24: {  	s3 =	sadd.s32 $0x88, s3;
	s6 =	simm.s32 @!p1 $0x1082;
	[sflag:s4] =	ssyncset.s32 $0xFFFFF086  }
0x25: {  	[simem:s6], [sflag:s4] =	dma.local [hbm:s3], $0xF7A  }
0x26: {  	[smem:$0x3F9D] =	sst s1;
	(tag) =	ssettag s2;
	_ =	strace s9  }
0x27: {  	s1 =	sld [smem:$0x3FAD]  }
0x28: {  	s2 =	sld [smem:$0x3FAE]  }
0x29: {  	s4 =	sld [smem:$0x3FB0]  }
0x2a: {  	p0 =	seq.s32 s5, $0x0;
	s5 =	sld [smem:$0x3FB1]  }
0x2b: {  	s6 =	sld [smem:$0x3FB2]  }
0x2c: {  	s7 =	sld [smem:$0x3FB3]  }
0x2d: {  	s3 =	simm.s32 $0x108;
	s8 =	sld [smem:$0x3FB4]  }
0x2e: {  	s3 =	simm.s32 @!p0 $0x1082;
	s9 =	sld [smem:$0x3FB5]  }
0x2f: {  	lr =	sadd.s32 s0, s3;
	s0 =	sld [smem:$0x3FAC]  }
0x30: {  	s3 =	sld [smem:$0x3FAF]  }
0x31: {  	[smem:$0x3FB8] =	sst s10  }
0x32: {  	s10 =	sld [smem:$0x3FB6];
	_ =	sdelay $0x3  }
0x33: {  	p0 =	seq.s32 s10, $0x1;
	s10 =	sld [smem:$0x3FB8];
	_ =	sdelay $0x3  }
0x34: {  	[smem:$0x3FB8] =	sst s10  }
0x35: {  	s10 =	sld [smem:$0x3FB7];
	_ =	sdelay $0x3  }
0x36: {  	p1 =	seq.s32 s10, $0x1;
	s10 =	sld [smem:$0x3FB8];
	_ =	sdelay $0x3  }
0x37: {  	[smem:$0x3FB8] =	sst s10  }
0x38: {  	s10 =	sld [smem:$0x3FB9]  }
0x39: {  	_ = 	snop;
	(pc) =	sbr.ind lr, $3  }
0x3a: {  	_ = 	snop  }
0x3b: {  	_ = 	snop  }
0x3c: {  	p2 =	seq.s32 s10, $0x1;
	s10 =	sld [smem:$0x3FB8]  }
0x3d: {  	_ =	shalt  }
0x3e: {  	_ =	shalt  }
0x3f: {  	_ =	shalt  }
0x40: {  	_ =	shalt  }
0x41: {  	_ =	shalt  }
0x42: {  	_ =	shalt  }
0x43: {  	_ =	shalt  }
0x44: {  	_ =	shalt  }
0x45: {  	_ =	shalt  }
0x46: {  	_ =	shalt  }
0x47: {  	_ =	shalt  }
0x48: {  	_ =	shalt  }
0x49: {  	_ =	shalt  }
0x4a: {  	_ =	shalt  }
0x4b: {  	_ =	shalt  }
0x4c: {  	_ =	shalt  }
0x4d: {  	_ =	shalt  }
0x4e: {  	_ =	shalt  }
0x4f: {  	_ =	shalt  }
0x50: {  	_ =	shalt  }
0x51: {  	_ =	shalt  }
0x52: {  	_ =	shalt  }
0x53: {  	_ =	shalt  }
0x54: {  	_ =	shalt  }
0x55: {  	_ =	shalt  }
0x56: {  	_ =	shalt  }
0x57: {  	_ =	shalt  }
0x58: {  	_ =	shalt  }
0x59: {  	_ =	shalt  }
0x5a: {  	_ =	shalt  }
0x5b: {  	_ =	shalt  }
0x5c: {  	_ =	shalt  }
0x5d: {  	_ =	shalt  }
0x5e: {  	_ =	shalt  }
0x5f: {  	_ =	shalt  }
0x60: {  	_ =	shalt  }
0x61: {  	_ =	shalt  }
0x62: {  	_ =	shalt  }
0x63: {  	_ =	shalt  }
0x64: {  	_ =	shalt  }
0x65: {  	_ =	shalt  }
0x66: {  	_ =	shalt  }
0x67: {  	_ =	shalt  }
0x68: {  	_ =	shalt  }
0x69: {  	_ =	shalt  }
0x6a: {  	_ =	shalt  }
0x6b: {  	_ =	shalt  }
0x6c: {  	_ =	shalt  }
0x6d: {  	_ =	shalt  }
0x6e: {  	_ =	shalt  }
0x6f: {  	_ =	shalt  }
0x70: {  	_ =	shalt  }
0x71: {  	_ =	shalt  }
0x72: {  	_ =	shalt  }
0x73: {  	_ =	shalt  }
0x74: {  	_ =	shalt  }
0x75: {  	_ =	shalt  }
0x76: {  	_ =	shalt  }
0x77: {  	_ =	shalt  }
0x78: {  	_ =	shalt  }
0x79: {  	_ =	shalt  }
0x7a: {  	_ =	shalt  }
0x7b: {  	_ =	shalt  }
0x7c: {  	_ =	shalt  }
0x7d: {  	_ =	shalt  }
0x7e: {  	_ =	shalt  }
0x7f: {  	_ =	shalt  }
0x80: {  	_ =	shalt  }
0x81: {  	_ =	shalt  }
0x82: {  	_ =	shalt  }
0x83: {  	_ =	shalt  }
0x84: {  	_ =	shalt  }
0x85: {  	_ =	shalt  }
0x86: {  	_ =	shalt  }
0x87: {  	_ =	shalt  }
.Lfunc_end0:
.L_simem_size_0:
called_computation.3_lowered:
.L_overlay_start_0:
0x88: {  	s2 =	sld [smem:$0x3FD9]  }
0x89: {  	s3 =	sld [smem:$0x3FFE];
	_ =	sdelay $0x1  }
0x8a: {  	s1 =	srdreg.scid  }
0x8b: {  	s0 =	sand.u32 $0x1, s1  }
0x8c: {  	s14 =	sshll.u32 s0, $0xA;
	s2 =	sadd.s32 s3, s2  }
0x8d: {  	s2 =	sadd.s32 s2, s14  }
0x8e: {  	[smem:$0x3FC4] =	sst s2  }
0x8f: {  	_ = 	snop  }
0x90: {  	s2 =	sld [smem:$0x3FD0];
	_ =	sdelay $0x2  }
0x91: {  	s4 =	simm.s32 $0xA;
	s5 =	simm.s32 $0x10;
	s15 =	sld [smem:$0x3FC6]  }
0x92: {  	[smem:s5], [sflag:s4] =	dma.local [hbm:s2], $0x1  }
0x93: {  	_ =	swait.eq [sflag:s4], $0x1  }
0x94: {  	[sflag:s4] =	ssyncset.done $0x0  }
0x95: {  	[sflag:s4] =	ssyncadd.s32 $0xFFFFFFFF  }
0x96: {  	s16 =	sld [smem:$0x10];
	(tm) =	ssettm $0x1  }
0x97: {  	s17 =	sld [smem:$0x3FFB];
	_ =	sdelay $0x3  }
0x98: {  	_ =	strace s17  }
0x99: {  	s4 =	sld [smem:$0x3FFC];
	_ =	sdelay $0x3  }
0x9a: {  	_ =	strace s4  }
0x9b: {  	s4 =	sld [smem:$0x3FFD];
	_ =	sdelay $0x3  }
0x9c: {  	_ =	strace s4  }
0x9d: {  	_ =	strace $0x8FFFFFFF  }
0x9e: {  	s18 =	sld [smem:$0x3FDB];
	_ =	sdelay $0x1  }
0x9f: {  	s19 =	simm.s32 $_scs_section_size  }
0xa0: {  	s6 =	simm.s32 $_size__tile_overlayer_lowered;
	s7 =	simm.s32 $_tile_overlayer_lowered  }
0xa1: {  	s22 =	simm.s32 $0x1BFF;
	s21 =	sshll.u32 s7, $0x1;
	s4 =	sadd.s32 s19, s18  }
0xa2: {  	s8 =	simm.s32 $0x0;
	s20 =	sshll.u32 s6, $0x1;
	s6 =	sadd.s32 s21, s4  }
0xa3: {  	[timem:s8], [sflag:s22] =	dma.local [hbm:s6], s20  }
0xa4: {  	_ =	swait.ge [sflag:s22], s20  }
0xa5: {  	s5 =	ssub.s32 $0x0, s20;
	[sflag:s22] =	ssyncset.done $0x0  }
0xa6: {  	[sflag:s22] =	ssyncadd.s32 s5;
	_ =	sdelay $0x1  }
0xa7: {  	s23 =	simm.s32 $0x1B8B  }
0xa8: {  	_ =	swait.ge [sflag:s23], $0x1  }
0xa9: {  	[sflag:s23] =	ssyncset.done $0x0  }
0xaa: {  	s25 =	simm.s32 $0x1B8E;
	s24 =	sld [smem:$0x3FFE];
	[sflag:s23] =	ssyncadd.s32 $0xFFFFFFFF  }
0xab: {  	s26 =	simm.s32 $execute0_lowered;
	[smem:$0x3FD2] =	sst s25  }
0xac: {  	s6 =	sshll.u32 s26, $0x1;
	_ =	strace $0x80000049;
	[dreg:$0x1] =	wrdreg $0xFFFFFFFF  }
0xad: {  	s28 =	simm.s32 $_size_execute0_lowered;
	s4 =	sadd.s32 s4, s6;
	[dreg:$0x0] =	wrdreg $0x0  }
0xae: {  	s6 =	sshll.u32 s28, $0x1;
	[dreg:$0x2] =	wrdreg s4  }
0xaf: {  	[dreg:$0x3] =	wrdreg s6  }
0xb0: {  	[dreg:$0x4] =	wrdreg $0xC0  }
0xb1: {  	_ =	task [dreg:s8], $0x5FFFF  }
0xb2: {  	[dreg:$0x1] =	wrdreg $0xFFFFFFFF  }
0xb3: {  	[dreg:$0x0] =	wrdreg $0x60  }
0xb4: {  	[dreg:$0x2] =	wrdreg s15  }
0xb5: {  	[dreg:$0x3] =	wrdreg s16  }
0xb6: {  	[dreg:$0x4] =	wrdreg s24  }
0xb7: {  	[dreg:$0x5] =	wrdreg $0x9  }
0xb8: {  	_ =	task.clear_ibuf [dreg:s8], $0x6FFFF;
	_ =	strace $0x90000049  }
0xb9: {  	s29 =	simm.s32 $0x9;
	_ =	strace $0x8000004B  }
0xba: {  	_ =	swait.ge [sflag:s29], $0x1  }
0xbb: {  	[sflag:s29] =	ssyncadd.s32 $0xFFFFFFFF  }
0xbc: {  	_ =	strace $0x9000004B  }
0xbd: {  	_ =	sfence  }
0xbe: {  	s30 =	sld [smem:$0x0];
	_ =	sdelay $0x2  }
0xbf: {  	s31 =	sshll.u32 s1, $0xD;
	s1 =	sshrl.u32 s1, $0x2  }
0xc0: {  	s3 =	sand.u32 $0x4000, s31;
	s1 =	sadd.s32 s1, s30  }
0xc1: {  	s0 =	sor.u32 s3, s0;
	s1 =	sshll.u32 s1, $0x11  }
0xc2: {  	s0 =	sor.u32 s1, s0  }
0xc3: {  	s0 =	sadd.s32 $0x8F2B, s0  }
0xc4: {  	[sflag:s0] =	ssyncadd.remote.s32 $0x1  }
0xc5: {  	_ =	sfence.sel $0xFFFF  }
0xc6: {  	[dreg:$0x0] =	wrdreg $0xFFFFFFFF;
	(pc) =	sbr.abs _section_cstart, $3  }
0xc7: {  	[dreg:$0x1] =	wrdreg $0xFFFFFFFF  }
0xc8: {  	_ =	task.clear_ibuf [dreg:s8], $0x2FFFF;
	_ =	strace $0x9FFFFFFF  }
0xc9: {  	(tm) =	ssettm $0x7FFFFFFF  }
tec
execute0_lowered:
.L_overlay_start_1:
0x0: {  	(tag) =	ssettag $0x1  }
0x1: {  	s1 =	srdreg.scid;
	s2 =	rddreg [dreg:$0x0]  }
0x2: {  	s0 =	stileid.u32;
	s3 =	rddreg [dreg:$0x1];
	s1 =	sshll.u32 s1, $0x5  }
0x3: {  	s6 =	rddreg [dreg:$0x2];
	s4 =	sshll.u32 s0, $0x6;
	s1 =	sand.u32 $0x20, s1  }
0x4: {  	s7 =	simm.s32 $0x1;
	s30 =	simm.s32 $0x2;
	s4 =	sor.u32 s4, s1  }
0x5: {  	s31 =	simm.s32 $0x3;
	s11 =	simm.s32 $0x0;
	s5 =	ssub.s32 $0x800, s4  }
0x6: {  	s9 =	simm.s32 $0x0;
	s6 =	sadd.s32 $0x400, s6;
	s8 =	sand.u32 $0x3E0, s5  }
0x7: {  	s1 =	rddreg [dreg:$0x3];
	_ =	strace $0x8000004A;
	p0 =	sne.s32 s8, $0x0  }
0x8: {  	[sflag:s7] =	ssyncpa.u1 $0x0;
	s5 =	sshrl.u32 s5, $0xA;
	s7 =	simm.s32 @!p0 $0x0  }
0x9: {  	s10 =	smov.u32 s4;
	[sflag:s30] =	ssyncpa.u1 $0x0;
	s5 =	sadd.s32 s7, s5  }
0xa: {  	[sflag:s31] =	ssyncpa.u1 $0x0;
	s8 =	simm.s32 $0x0;
	s7 =	sadd.s32 $0x1, s5  }
.LBB2_1:
0xb: {  	p0 =	sge.u32 s9, s5  }
0xc: {  	s31 =	sadd.s32 $0xFFFFFFFF, s9;
	s12 =	sxor.u32 @!p0 $0xFFFFFFFF, s8;
	s13 =	sshrl.u32 @!p0 s10, $0x3  }
0xd: {  	s14 =	sand.u32 @!p0 $0x7, s10;
	s12 =	sand.u32 @!p0 $0x20, s12;
	s13 =	sadd.s32 @!p0 s3, s13  }
0xe: {  	[tilespmem:s12], [sflag:$0x2] =	stream.linear.gather @!p0 [hbm4b:s13+s14], $0x20, $0x38;
	[tilespmem:$0x80] =	vst v63  }
0xf: {  	p0 =	sge.u32 s31, s5  }
0x10: {  	s12 =	simm.s32 @!p0 $0x2  }
0x11: {  	_ =	swait.ge @!p0 [sflag:s12], $0x20  }
0x12: {  	[sflag:s12] =	ssyncset.done @!p0 $0x0  }
0x13: {  	[sflag:s12] =	ssyncadd.s32 @!p0 $0xFFFFFFE0;
	s12 =	sand.u32 @!p0 $0x20, s8  }
0x14: {  	(ifvalue) =	ssetifvalue @!p0 $0x7FFFFFFF;
	v0 =	vld.msk @!p0 [tilespmem:s12+$0x0 ss:$0x1], $0xffff;
	_ =	sdelay $0x4  }
0x15: {  	vm0 =	vgt.s32 @!p0 v0, $0x0  }
0x16: {  	v0 =	vnsel @!p0 vm0, $0x0, v0  }
0x17: {  	v0 =	vmin.u32 @!p0 v0, $0x1869F;
	_ =	sdelay $0x2  }
0x18: {  	s14 =	simm.s32 @!p0 $0x0  }
0x19: {  	s13 =	sor.u32 @!p0 $0x40, s12;
	(ifvalue) =	ssetifvalue @!p0 $0x7FFFFFFF;
	s15 =	sor.u32 @!p0 $0x10, s12;
	vm0 =	vmmov @!p0 $0xffff  }
0x1a: {  	[tilespmem:s13], [sflag:$0x1] =	stream.indirect_vreg.gather @!p0 [hbm4b:s2+s14], $0x1, v0, vm0, $0x4038;
	[tilespmem:$0x80] =	vst v63  }
0x1b: {  	v0 =	vld.msk @!p0 [tilespmem:s15+$0x0 ss:$0x1], $0xffff;
	_ =	sdelay $0x4  }
0x1c: {  	vm1 =	vgt.s32 @!p0 v0, $0x0  }
0x1d: {  	v0 =	vnsel @!p0 vm1, $0x0, v0  }
0x1e: {  	v0 =	vmin.u32 @!p0 v0, $0x1869F;
	_ =	sdelay $0x3  }
0x1f: {  	s12 =	sor.u32 @!p0 $0x50, s12;
	(ifvalue) =	ssetifvalue @!p0 $0x7FFFFFFF  }
0x20: {  	[tilespmem:s12], [sflag:$0x1] =	stream.indirect_vreg.gather @!p0 [hbm4b:s2+s14], $0x1, v0, vm0, $0x4038;
	[tilespmem:$0x80] =	vst v63  }
0x21: {  	s12 =	simm.s32 @!p0 $0x1  }
0x22: {  	_ =	swait.ge @!p0 [sflag:s12], $0x20  }
0x23: {  	s14 =	sshrl.u32 @!p0 s11, $0x3;
	[sflag:s12] =	ssyncset.done @!p0 $0x0  }
0x24: {  	s11 =	sand.u32 @!p0 $0x7, s11;
	[sflag:s12] =	ssyncadd.s32 @!p0 $0xFFFFFFE0;
	s12 =	sadd.s32 @!p0 s6, s14  }
0x25: {  	[hbm4b:s12+s11] =	stream.linear.scatter @!p0 [tilespmem:s13], [sflag:$0x3], $0x20, $0x38;
	[tilespmem:$0x80] =	vst v63  }
0x26: {  	s13 =	sadd.s32 $0x400, s10  }
0x27: {  	p1 =	sgt.s32 s13, $0x7FF  }
0x28: {  	s13 =	smov.u32 @p1 s4;
	p1 =	sne.s32 s9, s7  }
.Ltmp0:
0x29: {  	p0 =	slt.u32 s9, $0x2;
	(pc) =	sbr.rel @p1 .LBB2_1-.Ltmp0, $4  }
0x2a: {  	s12 =	simm.s32 @!p0 $0x3  }
0x2b: {  	_ =	swait.ge @!p0 [sflag:s12], $0x20  }
0x2c: {  	s8 =	sadd.s32 $0x20, s8;
	s11 =	smov.u32 s10;
	[sflag:s12] =	ssyncset.done @!p0 $0x0  }
0x2d: {  	s9 =	sadd.s32 $0x1, s9;
	s10 =	smov.u32 s13;
	[sflag:s12] =	ssyncadd.s32 @!p0 $0xFFFFFFE0  }
0x2e: {  	_ =	sfence.sel $0x180000  }
0x2f: {  	s2 =	simm.s32 $0x2;
	[bflag:$0x0] =	sbarrier.arrive $0xFFFF  }
0x30: {  	s30 =	simm.s32 $0x3;
	[sflag:s2] =	ssyncpa.u1 $0x1  }
0x31: {  	s31 =	simm.s32 $0x1;
	[sflag:s30] =	ssyncpa.u1 $0x1  }
0x32: {  	[sflag:s31] =	ssyncpa.u1 $0x1  }
0x33: {  	p0 =	sne.s32 s0, $0x0;
	_ =	strace $0x9000004A  }
0x34: {  	s0 =	sadd.s32 @!p0 $0x100000, s1;
	[bflag:$0x2] =	sbarrier.arrive $0xFFFF  }
0x35: {  	[sflag:s0] =	ssyncadd.tile.s32 @!p0 $0x1;
	_ =	shalt  }
.Lfunc_end2:
_tile_overlayer_lowered:
.L_overlay_start_2:
0x36: {  	(tag) =	ssettag $0x2  }
0x37: {  	s0 =	rddreg [dreg:$0x0];
	s2 =	stileid.u32  }
0x38: {  	s1 =	rddreg [dreg:$0x1];
	p0 =	sne.s32 s2, $0x0  }
0x39: {  	s3 =	rddreg [dreg:$0x2];
	[bflag:$0x3] =	sbarrier.arrive $0xFFFF;
	s2 =	simm.s32 @!p0 $0x1C01  }
0x3a: {  	[timem:s3], [sflag:s2] =	dma.local @!p0 [hbm:s0], s1  }
0x3b: {  	s0 =	simm.s32 @!p0 $0x1  }
0x3c: {  	_ =	swait.ge @!p0 [sflag:s0], s1  }
0x3d: {  	s1 =	ssub.s32 @!p0 $0x0, s1;
	[sflag:s0] =	ssyncset.done @!p0 $0x0  }
0x3e: {  	[sflag:s0] =	ssyncadd.s32 @!p0 s1  }
0x3f: {  	[bflag:$0x3] =	sbarrier.arrive $0xFFFF  }
0x40: {  	_ =	shalt  }

// kernel: gather_offload_async_start
scs
__scs_entry_jumppad:
0x0: {  	(pc) =	sbr.rel $0x88, $3  }
0x1: {  	(tag) =	ssettag $0x0;
	lr =	simm.s32 $0x1  }
0x2: {  	[smem:$0x3F9D] =	sst lr;
	_ =	strace $0xD0000000  }
0x3: {  	_ = 	snop  }
0x4: {  	_ = 	snop  }
0x5: {  	_ = 	snop  }
0x6: {  	_ = 	snop  }
0x7: {  	_ = 	snop  }
__scs_overlays_trampoline_lowered:
0x8: {  	[smem:$0x3FAC] =	sst s0  }
0x9: {  	[smem:$0x3FAD] =	sst s1  }
0xa: {  	[smem:$0x3FAE] =	sst s2  }
0xb: {  	[smem:$0x3FAF] =	sst s3  }
0xc: {  	[smem:$0x3FB0] =	sst s4  }
0xd: {  	[smem:$0x3FB1] =	sst s5  }
0xe: {  	[smem:$0x3FB2] =	sst s6  }
0xf: {  	[smem:$0x3FB3] =	sst s7  }
0x10: {  	[smem:$0x3FB4] =	sst s8  }
0x11: {  	[smem:$0x3FB5] =	sst s9;
	s0 =	simm.s32 @!p0 $0x0  }
0x12: {  	s1 =	sld [smem:$0x3F9B];
	s0 =	simm.s32 @p0 $0x1  }
0x13: {  	[smem:$0x3FB6] =	sst s0;
	s0 =	simm.s32 @!p1 $0x0  }
0x14: {  	s2 =	sld [smem:$0x3F9A];
	s0 =	simm.s32 @p1 $0x1  }
0x15: {  	[smem:$0x3FB7] =	sst s0;
	s0 =	simm.s32 @!p2 $0x0  }
0x16: {  	s3 =	sld [smem:$0x3FDB];
	s0 =	simm.s32 @p2 $0x1  }
0x17: {  	s4 =	simm.s32 $0x1BF5;
	[smem:$0x3FB9] =	sst s0  }
0x18: {  	s0 =	sld [smem:$0x3F9C];
	_ =	swait.ge [sflag:s4], $0x0  }
0x19: {  	s7 =	sld [smem:$0x3F9D]  }
0x1a: {  	s8 =	sadd.s32 $0xFFFFE003, lr  }
0x1b: {  	s9 =	sadd.s32 $0xFFFFFEF7, lr;
	s5 =	simm.s32 $0xFFFFFFFF;
	p2 =	slt.u32 s8, $0xFFFFF086  }
0x1c: {  	p1 =	slt.u32 s9, $0xF7A;
	s5 =	simm.s32 @!p2 $0x0  }
0x1d: {  	s5 =	simm.s32 @p1 $0x1;
	p0 =	seq.s32 s7, s2  }
0x1e: {  	s7 =	smul.u32 @!p0 $0xF7A, s2;
	p2 =	seq.s32 @!p0 s5, $0x0  }
0x1f: {  	s9 =	smul.u32 $0xF7A, s1;
	s8 =	simm.s32 @!p0 $0x1BF5;
	p2 =	por !p2, p0  }
0x20: {  	[sflag:s8] =	ssyncset.s32 @!p0 $0xFFFFF086;
	s6 =	sadd.s32 @!p0 s3, s7;
	s7 =	simm.s32 @!p0 $0x108  }
0x21: {  	s3 =	sadd.s32 s3, s9;
	s6 =	sadd.s32 @!p0 $0x88, s6;
	s7 =	simm.s32 @p2 $0x1082  }
0x22: {  	[simem:s7], [sflag:s8] =	dma.local @!p0 [hbm:s6], $0xF7A  }
0x23: {  	s9 =	sor.u32 $0xD0000000, s2;
	s6 =	simm.s32 $0x108;
	_ =	swait.ge @!p0 [sflag:s8], $0x0  }
0x24: {  	s3 =	sadd.s32 $0x88, s3;
	s6 =	simm.s32 @!p1 $0x1082;
	[sflag:s4] =	ssyncset.s32 $0xFFFFF086  }
0x25: {  	[simem:s6], [sflag:s4] =	dma.local [hbm:s3], $0xF7A  }
0x26: {  	[smem:$0x3F9D] =	sst s1;
	(tag) =	ssettag s2;
	_ =	strace s9  }
0x27: {  	s1 =	sld [smem:$0x3FAD]  }
0x28: {  	s2 =	sld [smem:$0x3FAE]  }
0x29: {  	s4 =	sld [smem:$0x3FB0]  }
0x2a: {  	p0 =	seq.s32 s5, $0x0;
	s5 =	sld [smem:$0x3FB1]  }
0x2b: {  	s6 =	sld [smem:$0x3FB2]  }
0x2c: {  	s7 =	sld [smem:$0x3FB3]  }
0x2d: {  	s3 =	simm.s32 $0x108;
	s8 =	sld [smem:$0x3FB4]  }
0x2e: {  	s3 =	simm.s32 @!p0 $0x1082;
	s9 =	sld [smem:$0x3FB5]  }
0x2f: {  	lr =	sadd.s32 s0, s3;
	s0 =	sld [smem:$0x3FAC]  }
0x30: {  	s3 =	sld [smem:$0x3FAF]  }
0x31: {  	[smem:$0x3FB8] =	sst s10  }
0x32: {  	s10 =	sld [smem:$0x3FB6];
	_ =	sdelay $0x3  }
0x33: {  	p0 =	seq.s32 s10, $0x1;
	s10 =	sld [smem:$0x3FB8];
	_ =	sdelay $0x3  }
0x34: {  	[smem:$0x3FB8] =	sst s10  }
0x35: {  	s10 =	sld [smem:$0x3FB7];
	_ =	sdelay $0x3  }
0x36: {  	p1 =	seq.s32 s10, $0x1;
	s10 =	sld [smem:$0x3FB8];
	_ =	sdelay $0x3  }
0x37: {  	[smem:$0x3FB8] =	sst s10  }
0x38: {  	s10 =	sld [smem:$0x3FB9]  }
0x39: {  	_ = 	snop;
	(pc) =	sbr.ind lr, $3  }
0x3a: {  	_ = 	snop  }
0x3b: {  	_ = 	snop  }
0x3c: {  	p2 =	seq.s32 s10, $0x1;
	s10 =	sld [smem:$0x3FB8]  }
0x3d: {  	_ =	shalt  }
0x3e: {  	_ =	shalt  }
0x3f: {  	_ =	shalt  }
0x40: {  	_ =	shalt  }
0x41: {  	_ =	shalt  }
0x42: {  	_ =	shalt  }
0x43: {  	_ =	shalt  }
0x44: {  	_ =	shalt  }
0x45: {  	_ =	shalt  }
0x46: {  	_ =	shalt  }
0x47: {  	_ =	shalt  }
0x48: {  	_ =	shalt  }
0x49: {  	_ =	shalt  }
0x4a: {  	_ =	shalt  }
0x4b: {  	_ =	shalt  }
0x4c: {  	_ =	shalt  }
0x4d: {  	_ =	shalt  }
0x4e: {  	_ =	shalt  }
0x4f: {  	_ =	shalt  }
0x50: {  	_ =	shalt  }
0x51: {  	_ =	shalt  }
0x52: {  	_ =	shalt  }
0x53: {  	_ =	shalt  }
0x54: {  	_ =	shalt  }
0x55: {  	_ =	shalt  }
0x56: {  	_ =	shalt  }
0x57: {  	_ =	shalt  }
0x58: {  	_ =	shalt  }
0x59: {  	_ =	shalt  }
0x5a: {  	_ =	shalt  }
0x5b: {  	_ =	shalt  }
0x5c: {  	_ =	shalt  }
0x5d: {  	_ =	shalt  }
0x5e: {  	_ =	shalt  }
0x5f: {  	_ =	shalt  }
0x60: {  	_ =	shalt  }
0x61: {  	_ =	shalt  }
0x62: {  	_ =	shalt  }
0x63: {  	_ =	shalt  }
0x64: {  	_ =	shalt  }
0x65: {  	_ =	shalt  }
0x66: {  	_ =	shalt  }
0x67: {  	_ =	shalt  }
0x68: {  	_ =	shalt  }
0x69: {  	_ =	shalt  }
0x6a: {  	_ =	shalt  }
0x6b: {  	_ =	shalt  }
0x6c: {  	_ =	shalt  }
0x6d: {  	_ =	shalt  }
0x6e: {  	_ =	shalt  }
0x6f: {  	_ =	shalt  }
0x70: {  	_ =	shalt  }
0x71: {  	_ =	shalt  }
0x72: {  	_ =	shalt  }
0x73: {  	_ =	shalt  }
0x74: {  	_ =	shalt  }
0x75: {  	_ =	shalt  }
0x76: {  	_ =	shalt  }
0x77: {  	_ =	shalt  }
0x78: {  	_ =	shalt  }
0x79: {  	_ =	shalt  }
0x7a: {  	_ =	shalt  }
0x7b: {  	_ =	shalt  }
0x7c: {  	_ =	shalt  }
0x7d: {  	_ =	shalt  }
0x7e: {  	_ =	shalt  }
0x7f: {  	_ =	shalt  }
0x80: {  	_ =	shalt  }
0x81: {  	_ =	shalt  }
0x82: {  	_ =	shalt  }
0x83: {  	_ =	shalt  }
0x84: {  	_ =	shalt  }
0x85: {  	_ =	shalt  }
0x86: {  	_ =	shalt  }
0x87: {  	_ =	shalt  }
.Lfunc_end0:
.L_simem_size_0:
called_computation_lowered:
.L_overlay_start_0:
0x88: {  	s2 =	sld [smem:$0x3FD9]  }
0x89: {  	s3 =	sld [smem:$0x3FFE];
	_ =	sdelay $0x1  }
0x8a: {  	s1 =	srdreg.scid  }
0x8b: {  	s0 =	sand.u32 $0x1, s1  }
0x8c: {  	s15 =	sshll.u32 s0, $0xA;
	s2 =	sadd.s32 s3, s2  }
0x8d: {  	s2 =	sadd.s32 s2, s15  }
0x8e: {  	[smem:$0x3FC4] =	sst s2  }
0x8f: {  	_ = 	snop  }
0x90: {  	s2 =	sld [smem:$0x3FD0];
	_ =	sdelay $0x2  }
0x91: {  	s4 =	simm.s32 $0xA;
	s5 =	simm.s32 $0x10;
	s16 =	sld [smem:$0x3FC7]  }
0x92: {  	[smem:s5], [sflag:s4] =	dma.local [hbm:s2], $0x1  }
0x93: {  	_ =	swait.eq [sflag:s4], $0x1  }
0x94: {  	[sflag:s4] =	ssyncset.done $0x0  }
0x95: {  	s17 =	sld [smem:$0x10];
	[sflag:s4] =	ssyncadd.s32 $0xFFFFFFFF  }
0x96: {  	s18 =	sld [smem:$0x11];
	(tm) =	ssettm $0x1  }
0x97: {  	s19 =	sld [smem:$0x3FFB];
	_ =	sdelay $0x3  }
0x98: {  	_ =	strace s19  }
0x99: {  	s5 =	sld [smem:$0x3FFC];
	_ =	sdelay $0x3  }
0x9a: {  	_ =	strace s5  }
0x9b: {  	s5 =	sld [smem:$0x3FFD];
	_ =	sdelay $0x3  }
0x9c: {  	_ =	strace s5  }
0x9d: {  	_ =	strace $0x8FFFFFFF  }
0x9e: {  	s20 =	sld [smem:$0x3FDB];
	_ =	sdelay $0x1  }
0x9f: {  	s6 =	simm.s32 $_scs_section_size  }
0xa0: {  	s7 =	simm.s32 $_size__tile_overlayer_lowered;
	s8 =	simm.s32 $_tile_overlayer_lowered  }
0xa1: {  	s23 =	simm.s32 $0x1BFF;
	s22 =	sshll.u32 s8, $0x1;
	s5 =	sadd.s32 s6, s20  }
0xa2: {  	s9 =	simm.s32 $0x0;
	s21 =	sshll.u32 s7, $0x1;
	s7 =	sadd.s32 s22, s5  }
0xa3: {  	[timem:s9], [sflag:s23] =	dma.local [hbm:s7], s21  }
0xa4: {  	_ =	swait.ge [sflag:s23], s21  }
0xa5: {  	s6 =	ssub.s32 $0x0, s21;
	[sflag:s23] =	ssyncset.done $0x0  }
0xa6: {  	[sflag:s23] =	ssyncadd.s32 s6;
	_ =	sdelay $0x1  }
0xa7: {  	s24 =	simm.s32 $0x1B8B  }
0xa8: {  	_ =	swait.ge [sflag:s24], $0x1  }
0xa9: {  	[sflag:s24] =	ssyncset.done $0x0  }
0xaa: {  	s25 =	simm.s32 $0x1B8E;
	[sflag:s24] =	ssyncadd.s32 $0xFFFFFFFF  }
0xab: {  	s26 =	simm.s32 $execute0_lowered;
	[smem:$0x3FD2] =	sst s25  }
0xac: {  	s6 =	sshll.u32 s26, $0x1;
	_ =	strace $0x8000004C;
	[dreg:$0x1] =	wrdreg $0xFFFFFFFF  }
0xad: {  	s28 =	simm.s32 $_size_execute0_lowered;
	s5 =	sadd.s32 s5, s6;
	[dreg:$0x0] =	wrdreg $0x0  }
0xae: {  	s6 =	sshll.u32 s28, $0x1;
	[dreg:$0x2] =	wrdreg s5  }
0xaf: {  	[dreg:$0x3] =	wrdreg s6  }
0xb0: {  	[dreg:$0x4] =	wrdreg $0xC0  }
0xb1: {  	_ =	task [dreg:s9], $0x5FFFF  }
0xb2: {  	[dreg:$0x1] =	wrdreg $0xFFFFFFFF  }
0xb3: {  	[dreg:$0x0] =	wrdreg $0x60  }
0xb4: {  	[dreg:$0x2] =	wrdreg s16  }
0xb5: {  	[dreg:$0x3] =	wrdreg s18  }
0xb6: {  	[dreg:$0x4] =	wrdreg s17  }
0xb7: {  	[dreg:$0x5] =	wrdreg $0x9  }
0xb8: {  	_ =	task.clear_ibuf [dreg:s9], $0x6FFFF;
	_ =	strace $0x9000004C  }
0xb9: {  	s29 =	simm.s32 $0x9;
	_ =	strace $0x8000004E  }
0xba: {  	_ =	swait.ge [sflag:s29], $0x1  }
0xbb: {  	[sflag:s29] =	ssyncadd.s32 $0xFFFFFFFF  }
0xbc: {  	_ =	strace $0x9000004E  }
0xbd: {  	_ =	sfence  }
0xbe: {  	s30 =	sld [smem:$0x0];
	_ =	sdelay $0x2  }
0xbf: {  	s31 =	sshll.u32 s1, $0xD;
	s1 =	sshrl.u32 s1, $0x2  }
0xc0: {  	s3 =	sand.u32 $0x4000, s31;
	s1 =	sadd.s32 s1, s30  }
0xc1: {  	s0 =	sor.u32 s3, s0;
	s1 =	sshll.u32 s1, $0x11  }
0xc2: {  	s0 =	sor.u32 s1, s0  }
0xc3: {  	s0 =	sadd.s32 $0x8F2B, s0  }
0xc4: {  	[sflag:s0] =	ssyncadd.remote.s32 $0x1  }
0xc5: {  	_ =	sfence.sel $0xFFFF  }
0xc6: {  	[dreg:$0x0] =	wrdreg $0xFFFFFFFF;
	(pc) =	sbr.abs _section_cstart, $3  }
0xc7: {  	[dreg:$0x1] =	wrdreg $0xFFFFFFFF  }
0xc8: {  	_ =	task.clear_ibuf [dreg:s9], $0x2FFFF;
	_ =	strace $0x9FFFFFFF  }
0xc9: {  	(tm) =	ssettm $0x7FFFFFFF  }
tec
execute0_lowered:
.L_overlay_start_1:
0x0: {  	(tag) =	ssettag $0x1  }
0x1: {  	s2 =	rddreg [dreg:$0x0]  }
0x2: {  	s3 =	rddreg [dreg:$0x1]  }
0x3: {  	s4 =	rddreg [dreg:$0x2];
	s1 =	stileid.u32  }
0x4: {  	s5 =	srdreg.scid;
	s0 =	rddreg [dreg:$0x3]  }
0x5: {  	_ =	strace $0x8000004D;
	s8 =	simm.s32 $0x1;
	s9 =	simm.s32 $0x1  }
0x6: {  	s10 =	simm.s32 $0x3;
	s6 =	sand.u32 $0x1, s5;
	s7 =	sshll.u32 s1, $0x1  }
0x7: {  	s13 =	simm.s32 $0x0;
	s5 =	simm.s32 $0x1;
	s6 =	sor.u32 s7, s6  }
.Ltmp0:
0x8: {  	[sflag:s5] =	ssyncpa.u1 $0x0;
	p0 =	slt.u32 s6, $0x13;
	(pc) =	sbr.rel .LBB2_1-.Ltmp0, $4  }
0x9: {  	s7 =	simm.s32 $0x2;
	s8 =	simm.s32 @!p0 $0x0;
	p0 =	sne.s32 s6, $0x12  }
0xa: {  	[sflag:s7] =	ssyncpa.u1 $0x0;
	s6 =	smul.u32 $0x190, s6;
	s9 =	simm.s32 @!p0 $0x0  }
0xb: {  	s12 =	simm.s32 $0x0;
	[sflag:s10] =	ssyncpa.u1 $0x0;
	s8 =	sadd.s32 s9, s8  }
0xc: {  	vm0 =	vmmov $0xffff;
	s10 =	simm.s32 $0x0;
	s11 =	smov.u32 s6;
	s9 =	sadd.s32 $0x1, s8  }
.LBB2_4:
0xd: {  	v2 =	vnsel vm1, $0x0, v2  }
0xe: {  	vm1 =	vgt.s32 v0, $0x0;
	v2 =	vmin.u32 v2, $0x1869F  }
0xf: {  	v0 =	vnsel vm1, $0x0, v0  }
0x10: {  	v0 =	vmin.u32 v0, $0x1869F  }
0x11: {  	[tilespmem:s18], [sflag:$0x1] =	stream.indirect_vreg.gather [hbm4b:s2+s10], $0x1, v1, vm0, $0x4038;
	[tilespmem:$0x640] =	vst v63  }
0x12: {  	(ifvalue) =	ssetifvalue $0x7FFFFFFF  }
0x13: {  	[tilespmem:s15], [sflag:$0x1] =	stream.indirect_vreg.gather [hbm4b:s2+s10], $0x1, v2, vm0, $0x4038;
	[tilespmem:$0x640] =	vst v63  }
0x14: {  	s29 =	sadd.s32 $0x10, s15;
	(ifvalue) =	ssetifvalue $0x7FFFFFFF  }
0x15: {  	[tilespmem:s29], [sflag:$0x1] =	stream.indirect_vreg.gather [hbm4b:s2+s10], $0x1, v0, vm0, $0x4038;
	[tilespmem:$0x640] =	vst v63  }
0x16: {  	_ =	swait.ge [sflag:s5], $0x190  }
0x17: {  	s30 =	sshrl.u32 s13, $0x3;
	[sflag:s5] =	ssyncset.done $0x0  }
0x18: {  	s31 =	sand.u32 $0x7, s13;
	s15 =	sadd.s32 s4, s30;
	[sflag:s5] =	ssyncadd.s32 $0xFFFFFE70  }
0x19: {  	[hbm4b:s15+s31] =	stream.linear.scatter [tilespmem:s14], [sflag:$0x3], $0x190, $0x38;
	[tilespmem:$0x640] =	vst v63  }
.LBB2_5:
0x1a: {  	s15 =	sadd.s32 $0x3200, s11  }
0x1b: {  	p1 =	sgt.s32 s15, $0x4E1F  }
0x1c: {  	s15 =	smov.u32 @p1 s6;
	p1 =	sne.s32 s12, s9  }
.Ltmp1:
0x1d: {  	p0 =	slt.u32 s12, $0x2;
	(pc) =	sbr.rel @!p1 .LBB2_6-.Ltmp1, $4  }
0x1e: {  	s14 =	simm.s32 @!p0 $0x3  }
0x1f: {  	_ =	swait.ge @!p0 [sflag:s14], $0x190  }
0x20: {  	s16 =	sadd.s32 $0x1, s12;
	s13 =	smov.u32 s11;
	[sflag:s14] =	ssyncset.done @!p0 $0x0  }
0x21: {  	s12 =	smov.u32 s16;
	s11 =	smov.u32 s15;
	[sflag:s14] =	ssyncadd.s32 @!p0 $0xFFFFFE70  }
.LBB2_1:
0x22: {  	p0 =	sge.u32 s12, s8  }
0x23: {  	s14 =	sxor.u32 @!p0 $0x1, s12  }
0x24: {  	s14 =	smul.u32 @!p0 $0x640, s14  }
0x25: {  	s31 =	sadd.s32 $0xFFFFFFFF, s12;
	s15 =	sshrl.u32 @!p0 s11, $0x3  }
0x26: {  	s16 =	sand.u32 @!p0 $0x7, s11;
	s15 =	sadd.s32 @!p0 s3, s15;
	s14 =	sshra.s32 @!p0 s14, $0x2  }
0x27: {  	[tilespmem:s14], [sflag:$0x2] =	stream.linear.gather @!p0 [hbm4b:s15+s16], $0x190, $0x38;
	[tilespmem:$0x640] =	vst v63  }
0x28: {  	p0 =	sge.u32 s31, s8  }
.Ltmp2:
0x29: {  	_ = 	snop;
	(pc) =	sbr.rel @p0 .LBB2_5-.Ltmp2, $1  }
0x2a: {  	_ =	sdelay $0x3  }
0x2b: {  	s14 =	sand.u32 $0x1, s12  }
0x2c: {  	_ =	swait.ge [sflag:s7], $0x190;
	p0 =	seq.s32 s14, $0x1;
	s14 =	simm.s32 $0x190  }
0x2d: {  	[sflag:s7] =	ssyncset.done $0x0;
	s14 =	simm.s32 @!p0 $0x0  }
0x2e: {  	[sflag:s7] =	ssyncadd.s32 $0xFFFFFE70;
	(ifvalue) =	ssetifvalue $0x7FFFFFFF;
	v0 =	vld.msk [tilespmem:s14+$0x0 ss:$0x1], $0xffff;
	_ =	sdelay $0x4  }
0x2f: {  	s15 =	sadd.s32 $0x10, s14;
	vm1 =	vgt.s32 v0, $0x0  }
0x30: {  	v2 =	vld.msk [tilespmem:s15+$0x0 ss:$0x1], $0xffff;
	v1 =	vnsel vm1, $0x0, v0  }
0x31: {  	v1 =	vmin.u32 v1, $0x1869F;
	_ =	sdelay $0x2  }
0x32: {  	s17 =	simm.s32 $0x20;
	s14 =	sadd.s32 $0x320, s14;
	s16 =	sadd.s32 $0x10, s15  }
0x33: {  	s15 =	sadd.s32 $0x10, s14;
	s18 =	smov.u32 s14;
	v0 =	vld.msk [tilespmem:s16+$0x0 ss:$0x1], $0xffff;
	vm1 =	vgt.s32 v2, $0x0;
	(ifvalue) =	ssetifvalue $0x7FFFFFFF  }
.LBB2_3:
0x34: {  	[tilespmem:s18], [sflag:$0x1] =	stream.indirect_vreg.gather [hbm4b:s2+s10], $0x1, v1, vm0, $0x4038;
	[tilespmem:$0x640] =	vst v63  }
0x35: {  	s17 =	sadd.s32 $0x10, s17  }
0x36: {  	v2 =	vnsel vm1, $0x0, v2;
	p0 =	slt.u32 s17, $0x180  }
.Ltmp3:
0x37: {  	s18 =	smov.u32 s15;
	v1 =	vmin.u32 v2, $0x1869F;
	(pc) =	sbr.rel @p0 .LBB2_3-.Ltmp3, $3  }
0x38: {  	_ =	sdelay $0x1  }
0x39: {  	s16 =	sadd.s32 $0x10, s16  }
0x3a: {  	vm1 =	vgt.s32 v0, $0x0;
	s15 =	sadd.s32 $0x10, s15;
	v2 =	vmov v0;
	(ifvalue) =	ssetifvalue $0x7FFFFFFF;
	v0 =	vld.msk [tilespmem:s16+$0x0 ss:$0x1], $0xffff  }
.Ltmp4:
0x3b: {  	_ = 	snop;
	(pc) =	sbr.rel .LBB2_4-.Ltmp4, $1  }
0x3c: {  	_ =	sdelay $0x3  }
.LBB2_6:
0x3d: {  	_ =	sfence.sel $0x180000  }
0x3e: {  	s2 =	simm.s32 $0x2;
	[bflag:$0x0] =	sbarrier.arrive $0xFFFF  }
0x3f: {  	s30 =	simm.s32 $0x3;
	[sflag:s2] =	ssyncpa.u1 $0x1  }
0x40: {  	s31 =	simm.s32 $0x1;
	[sflag:s30] =	ssyncpa.u1 $0x1  }
0x41: {  	[sflag:s31] =	ssyncpa.u1 $0x1  }
0x42: {  	p0 =	sne.s32 s1, $0x0;
	_ =	strace $0x9000004D  }
0x43: {  	s0 =	sadd.s32 @!p0 $0x100000, s0;
	[bflag:$0x2] =	sbarrier.arrive $0xFFFF  }
0x44: {  	[sflag:s0] =	ssyncadd.tile.s32 @!p0 $0x1;
	_ =	shalt  }
.Lfunc_end2:
_tile_overlayer_lowered:
.L_overlay_start_2:
0x45: {  	(tag) =	ssettag $0x2  }
0x46: {  	s0 =	rddreg [dreg:$0x0];
	s2 =	stileid.u32  }
0x47: {  	s1 =	rddreg [dreg:$0x1];
	p0 =	sne.s32 s2, $0x0  }
0x48: {  	s3 =	rddreg [dreg:$0x2];
	[bflag:$0x3] =	sbarrier.arrive $0xFFFF;
	s2 =	simm.s32 @!p0 $0x1C01  }
0x49: {  	[timem:s3], [sflag:s2] =	dma.local @!p0 [hbm:s0], s1  }
0x4a: {  	s0 =	simm.s32 @!p0 $0x1  }
0x4b: {  	_ =	swait.ge @!p0 [sflag:s0], s1  }
0x4c: {  	s1 =	ssub.s32 @!p0 $0x0, s1;
	[sflag:s0] =	ssyncset.done @!p0 $0x0  }
0x4d: {  	[sflag:s0] =	ssyncadd.s32 @!p0 s1  }
0x4e: {  	[bflag:$0x3] =	sbarrier.arrive $0xFFFF  }
0x4f: {  	_ =	shalt  }

// kernel: kernel.4.cloned.1.call-start
scs
__scs_entry_jumppad:
0x0: {  	(pc) =	sbr.rel $0x88, $3  }
0x1: {  	(tag) =	ssettag $0x0;
	lr =	simm.s32 $0x1  }
0x2: {  	[smem:$0x3F9D] =	sst lr;
	_ =	strace $0xD0000000  }
0x3: {  	_ = 	snop  }
0x4: {  	_ = 	snop  }
0x5: {  	_ = 	snop  }
0x6: {  	_ = 	snop  }
0x7: {  	_ = 	snop  }
__scs_overlays_trampoline_lowered:
0x8: {  	[smem:$0x3FAC] =	sst s0  }
0x9: {  	[smem:$0x3FAD] =	sst s1  }
0xa: {  	[smem:$0x3FAE] =	sst s2  }
0xb: {  	[smem:$0x3FAF] =	sst s3  }
0xc: {  	[smem:$0x3FB0] =	sst s4  }
0xd: {  	[smem:$0x3FB1] =	sst s5  }
0xe: {  	[smem:$0x3FB2] =	sst s6  }
0xf: {  	[smem:$0x3FB3] =	sst s7  }
0x10: {  	[smem:$0x3FB4] =	sst s8  }
0x11: {  	[smem:$0x3FB5] =	sst s9;
	s0 =	simm.s32 @!p0 $0x0  }
0x12: {  	s1 =	sld [smem:$0x3F9B];
	s0 =	simm.s32 @p0 $0x1  }
0x13: {  	[smem:$0x3FB6] =	sst s0;
	s0 =	simm.s32 @!p1 $0x0  }
0x14: {  	s2 =	sld [smem:$0x3F9A];
	s0 =	simm.s32 @p1 $0x1  }
0x15: {  	[smem:$0x3FB7] =	sst s0;
	s0 =	simm.s32 @!p2 $0x0  }
0x16: {  	s3 =	sld [smem:$0x3FDB];
	s0 =	simm.s32 @p2 $0x1  }
0x17: {  	s4 =	simm.s32 $0x1BF5;
	[smem:$0x3FB9] =	sst s0  }
0x18: {  	s0 =	sld [smem:$0x3F9C];
	_ =	swait.ge [sflag:s4], $0x0  }
0x19: {  	s7 =	sld [smem:$0x3F9D]  }
0x1a: {  	s8 =	sadd.s32 $0xFFFFE003, lr  }
0x1b: {  	s9 =	sadd.s32 $0xFFFFFEF7, lr;
	s5 =	simm.s32 $0xFFFFFFFF;
	p2 =	slt.u32 s8, $0xFFFFF086  }
0x1c: {  	p1 =	slt.u32 s9, $0xF7A;
	s5 =	simm.s32 @!p2 $0x0  }
0x1d: {  	s5 =	simm.s32 @p1 $0x1;
	p0 =	seq.s32 s7, s2  }
0x1e: {  	s7 =	smul.u32 @!p0 $0xF7A, s2;
	p2 =	seq.s32 @!p0 s5, $0x0  }
0x1f: {  	s9 =	smul.u32 $0xF7A, s1;
	s8 =	simm.s32 @!p0 $0x1BF5;
	p2 =	por !p2, p0  }
0x20: {  	[sflag:s8] =	ssyncset.s32 @!p0 $0xFFFFF086;
	s6 =	sadd.s32 @!p0 s3, s7;
	s7 =	simm.s32 @!p0 $0x108  }
0x21: {  	s3 =	sadd.s32 s3, s9;
	s6 =	sadd.s32 @!p0 $0x88, s6;
	s7 =	simm.s32 @p2 $0x1082  }
0x22: {  	[simem:s7], [sflag:s8] =	dma.local @!p0 [hbm:s6], $0xF7A  }
0x23: {  	s9 =	sor.u32 $0xD0000000, s2;
	s6 =	simm.s32 $0x108;
	_ =	swait.ge @!p0 [sflag:s8], $0x0  }
0x24: {  	s3 =	sadd.s32 $0x88, s3;
	s6 =	simm.s32 @!p1 $0x1082;
	[sflag:s4] =	ssyncset.s32 $0xFFFFF086  }
0x25: {  	[simem:s6], [sflag:s4] =	dma.local [hbm:s3], $0xF7A  }
0x26: {  	[smem:$0x3F9D] =	sst s1;
	(tag) =	ssettag s2;
	_ =	strace s9  }
0x27: {  	s1 =	sld [smem:$0x3FAD]  }
0x28: {  	s2 =	sld [smem:$0x3FAE]  }
0x29: {  	s4 =	sld [smem:$0x3FB0]  }
0x2a: {  	p0 =	seq.s32 s5, $0x0;
	s5 =	sld [smem:$0x3FB1]  }
0x2b: {  	s6 =	sld [smem:$0x3FB2]  }
0x2c: {  	s7 =	sld [smem:$0x3FB3]  }
0x2d: {  	s3 =	simm.s32 $0x108;
	s8 =	sld [smem:$0x3FB4]  }
0x2e: {  	s3 =	simm.s32 @!p0 $0x1082;
	s9 =	sld [smem:$0x3FB5]  }
0x2f: {  	lr =	sadd.s32 s0, s3;
	s0 =	sld [smem:$0x3FAC]  }
0x30: {  	s3 =	sld [smem:$0x3FAF]  }
0x31: {  	[smem:$0x3FB8] =	sst s10  }
0x32: {  	s10 =	sld [smem:$0x3FB6];
	_ =	sdelay $0x3  }
0x33: {  	p0 =	seq.s32 s10, $0x1;
	s10 =	sld [smem:$0x3FB8];
	_ =	sdelay $0x3  }
0x34: {  	[smem:$0x3FB8] =	sst s10  }
0x35: {  	s10 =	sld [smem:$0x3FB7];
	_ =	sdelay $0x3  }
0x36: {  	p1 =	seq.s32 s10, $0x1;
	s10 =	sld [smem:$0x3FB8];
	_ =	sdelay $0x3  }
0x37: {  	[smem:$0x3FB8] =	sst s10  }
0x38: {  	s10 =	sld [smem:$0x3FB9]  }
0x39: {  	_ = 	snop;
	(pc) =	sbr.ind lr, $3  }
0x3a: {  	_ = 	snop  }
0x3b: {  	_ = 	snop  }
0x3c: {  	p2 =	seq.s32 s10, $0x1;
	s10 =	sld [smem:$0x3FB8]  }
0x3d: {  	_ =	shalt  }
0x3e: {  	_ =	shalt  }
0x3f: {  	_ =	shalt  }
0x40: {  	_ =	shalt  }
0x41: {  	_ =	shalt  }
0x42: {  	_ =	shalt  }
0x43: {  	_ =	shalt  }
0x44: {  	_ =	shalt  }
0x45: {  	_ =	shalt  }
0x46: {  	_ =	shalt  }
0x47: {  	_ =	shalt  }
0x48: {  	_ =	shalt  }
0x49: {  	_ =	shalt  }
0x4a: {  	_ =	shalt  }
0x4b: {  	_ =	shalt  }
0x4c: {  	_ =	shalt  }
0x4d: {  	_ =	shalt  }
0x4e: {  	_ =	shalt  }
0x4f: {  	_ =	shalt  }
0x50: {  	_ =	shalt  }
0x51: {  	_ =	shalt  }
0x52: {  	_ =	shalt  }
0x53: {  	_ =	shalt  }
0x54: {  	_ =	shalt  }
0x55: {  	_ =	shalt  }
0x56: {  	_ =	shalt  }
0x57: {  	_ =	shalt  }
0x58: {  	_ =	shalt  }
0x59: {  	_ =	shalt  }
0x5a: {  	_ =	shalt  }
0x5b: {  	_ =	shalt  }
0x5c: {  	_ =	shalt  }
0x5d: {  	_ =	shalt  }
0x5e: {  	_ =	shalt  }
0x5f: {  	_ =	shalt  }
0x60: {  	_ =	shalt  }
0x61: {  	_ =	shalt  }
0x62: {  	_ =	shalt  }
0x63: {  	_ =	shalt  }
0x64: {  	_ =	shalt  }
0x65: {  	_ =	shalt  }
0x66: {  	_ =	shalt  }
0x67: {  	_ =	shalt  }
0x68: {  	_ =	shalt  }
0x69: {  	_ =	shalt  }
0x6a: {  	_ =	shalt  }
0x6b: {  	_ =	shalt  }
0x6c: {  	_ =	shalt  }
0x6d: {  	_ =	shalt  }
0x6e: {  	_ =	shalt  }
0x6f: {  	_ =	shalt  }
0x70: {  	_ =	shalt  }
0x71: {  	_ =	shalt  }
0x72: {  	_ =	shalt  }
0x73: {  	_ =	shalt  }
0x74: {  	_ =	shalt  }
0x75: {  	_ =	shalt  }
0x76: {  	_ =	shalt  }
0x77: {  	_ =	shalt  }
0x78: {  	_ =	shalt  }
0x79: {  	_ =	shalt  }
0x7a: {  	_ =	shalt  }
0x7b: {  	_ =	shalt  }
0x7c: {  	_ =	shalt  }
0x7d: {  	_ =	shalt  }
0x7e: {  	_ =	shalt  }
0x7f: {  	_ =	shalt  }
0x80: {  	_ =	shalt  }
0x81: {  	_ =	shalt  }
0x82: {  	_ =	shalt  }
0x83: {  	_ =	shalt  }
0x84: {  	_ =	shalt  }
0x85: {  	_ =	shalt  }
0x86: {  	_ =	shalt  }
0x87: {  	_ =	shalt  }
.Lfunc_end0:
.L_simem_size_0:
called_computation.4_lowered:
.L_overlay_start_0:
0x88: {  	s2 =	sld [smem:$0x3FD9]  }
0x89: {  	s3 =	sld [smem:$0x3FFE];
	_ =	sdelay $0x1  }
0x8a: {  	s1 =	srdreg.scid  }
0x8b: {  	s0 =	sand.u32 $0x1, s1  }
0x8c: {  	s16 =	sshll.u32 s0, $0xA;
	s2 =	sadd.s32 s3, s2  }
0x8d: {  	s2 =	sadd.s32 s2, s16  }
0x8e: {  	[smem:$0x3FC4] =	sst s2  }
0x8f: {  	_ = 	snop  }
0x90: {  	(tm) =	ssettm $0x1  }
0x91: {  	s17 =	sld [smem:$0x3FFB];
	_ =	sdelay $0x3  }
0x92: {  	_ =	strace s17  }
0x93: {  	s2 =	sld [smem:$0x3FFC];
	_ =	sdelay $0x3  }
0x94: {  	_ =	strace s2  }
0x95: {  	s2 =	sld [smem:$0x3FFD];
	_ =	sdelay $0x3  }
0x96: {  	_ =	strace s2  }
0x97: {  	_ =	strace $0x8FFFFFFF  }
0x98: {  	s18 =	sld [smem:$0x3FDB];
	_ =	sdelay $0x1  }
0x99: {  	s19 =	simm.s32 $_scs_section_size  }
0x9a: {  	s4 =	simm.s32 $_size__tile_overlayer_lowered;
	s5 =	simm.s32 $_tile_overlayer_lowered  }
0x9b: {  	s22 =	simm.s32 $0x1BFF;
	s21 =	sshll.u32 s5, $0x1;
	s2 =	sadd.s32 s19, s18  }
0x9c: {  	s6 =	simm.s32 $0x0;
	s20 =	sshll.u32 s4, $0x1;
	s4 =	sadd.s32 s21, s2  }
0x9d: {  	[timem:s6], [sflag:s22] =	dma.local [hbm:s4], s20  }
0x9e: {  	_ =	swait.ge [sflag:s22], s20  }
0x9f: {  	s3 =	ssub.s32 $0x0, s20;
	[sflag:s22] =	ssyncset.done $0x0  }
0xa0: {  	[sflag:s22] =	ssyncadd.s32 s3;
	_ =	sdelay $0x1  }
0xa1: {  	s23 =	simm.s32 $0x1B8B  }
0xa2: {  	_ =	swait.ge [sflag:s23], $0x1  }
0xa3: {  	[sflag:s23] =	ssyncset.done $0x0  }
0xa4: {  	s25 =	simm.s32 $0x1B8E;
	s24 =	sld [smem:$0x3FFE];
	[sflag:s23] =	ssyncadd.s32 $0xFFFFFFFF  }
0xa5: {  	s26 =	simm.s32 $execute0_lowered;
	[smem:$0x3FD2] =	sst s25  }
0xa6: {  	s4 =	sshll.u32 s26, $0x1;
	_ =	strace $0x80000052;
	[dreg:$0x1] =	wrdreg $0xFFFFFFFF  }
0xa7: {  	s28 =	simm.s32 $_size_execute0_lowered;
	s2 =	sadd.s32 s2, s4;
	[dreg:$0x0] =	wrdreg $0x0  }
0xa8: {  	s4 =	sshll.u32 s28, $0x1;
	[dreg:$0x2] =	wrdreg s2  }
0xa9: {  	[dreg:$0x3] =	wrdreg s4  }
0xaa: {  	[dreg:$0x4] =	wrdreg $0xC0  }
0xab: {  	_ =	task [dreg:s6], $0x5FFFF  }
0xac: {  	[dreg:$0x1] =	wrdreg $0xFFFFFFFF  }
0xad: {  	[dreg:$0x0] =	wrdreg $0x60  }
0xae: {  	[dreg:$0x2] =	wrdreg s24  }
0xaf: {  	[dreg:$0x3] =	wrdreg $0x9  }
0xb0: {  	_ =	task.clear_ibuf [dreg:s6], $0x4FFFF;
	_ =	strace $0x90000052  }
0xb1: {  	s29 =	simm.s32 $0x9;
	_ =	strace $0x80000054  }
0xb2: {  	_ =	swait.ge [sflag:s29], $0x1  }
0xb3: {  	[sflag:s29] =	ssyncadd.s32 $0xFFFFFFFF  }
0xb4: {  	_ =	strace $0x90000054  }
0xb5: {  	_ =	sfence  }
0xb6: {  	s30 =	sld [smem:$0x0];
	_ =	sdelay $0x2  }
0xb7: {  	s31 =	sshll.u32 s1, $0xD;
	s1 =	sshrl.u32 s1, $0x2  }
0xb8: {  	s3 =	sand.u32 $0x4000, s31;
	s1 =	sadd.s32 s1, s30  }
0xb9: {  	s0 =	sor.u32 s3, s0;
	s1 =	sshll.u32 s1, $0x11  }
0xba: {  	s0 =	sor.u32 s1, s0  }
0xbb: {  	s0 =	sadd.s32 $0x8F2B, s0  }
0xbc: {  	[sflag:s0] =	ssyncadd.remote.s32 $0x1  }
0xbd: {  	_ =	sfence.sel $0xFFFF  }
0xbe: {  	[dreg:$0x0] =	wrdreg $0xFFFFFFFF;
	(pc) =	sbr.abs _section_cstart, $3  }
0xbf: {  	[dreg:$0x1] =	wrdreg $0xFFFFFFFF  }
0xc0: {  	_ =	task.clear_ibuf [dreg:s6], $0x2FFFF;
	_ =	strace $0x9FFFFFFF  }
0xc1: {  	(tm) =	ssettm $0x7FFFFFFF  }
tec
execute0_lowered:
.L_overlay_start_1:
0x0: {  	(tag) =	ssettag $0x1  }
0x1: {  	s4 =	rddreg [dreg:$0x0]  }
0x2: {  	s0 =	rddreg [dreg:$0x1];
	s1 =	simm.s32 $0x0  }
0x3: {  	s7 =	srdreg.scid;
	s8 =	simm.s32 $0x5000;
	s9 =	simm.s32 $0xA000  }
0x4: {  	s13 =	simm.s32 $0xF000;
	s14 =	simm.s32 $0xF800;
	s15 =	simm.s32 $0x0  }
0x5: {  	s18 =	simm.s32 $0x0;
	[smem:$0x7FF] =	sst s1;
	s2 =	sadd.s32 $0x230A00, s4  }
0x6: {  	v0 =	vlaneseq.u32;
	s3 =	sadd.s32 $0x10800, s4;
	s5 =	sadd.s32 $0xB0800, s4;
	s10 =	sand.u32 $0x1, s7  }
0x7: {  	s6 =	sadd.s32 $0x800, s4;
	s7 =	sadd.s32 $0x150800, s4;
	v1 =	vor.u32 $0x80000090, v0;
	v2 =	vor.u32 $0x80000080, v0;
	s11 =	ssub.s32 $0x2, s10  }
0x8: {  	vm0 =	vmxor vm0, vm0;
	s4 =	stileid.u32;
	v3 =	vor.u32 $0x80000070, v0;
	v4 =	vor.u32 $0x80000060, v0;
	_ =	strace $0x80000053;
	s12 =	sshrl.u32 s11, $0x1  }
0x9: {  	v5 =	vor.u32 $0x80000050, v0;
	v6 =	vor.u32 $0x80000040, v0;
	v7 =	vor.u32 $0x80000030, v0;
	s31 =	sshll.u32 s4, $0x4;
	s10 =	sshll.u32 s10, $0x3;
	s11 =	ssub.s32 s11, s12  }
0xa: {  	v8 =	vor.u32 $0x80000020, v0;
	v9 =	vor.u32 $0x80000010, v0;
	v10 =	vor.u32 $0x80000000, v0;
	s10 =	sor.u32 s10, s31;
	s12 =	simm.s32 $0x1;
	s11 =	smax.u32 s11, $0x1  }
.LBB2_1:
0xb: {  	s16 =	simm.s32 $0x0  }
.LBB2_2:
0xc: {  	s17 =	sadd.s32 s10, s16  }
0xd: {  	s19 =	smul.u32 $0xA00, s17;
	_ =	sdelay $0x1  }
0xe: {  	s20 =	sadd.s32 s2, s19  }
0xf: {  	[tilespmem:s18], [sflag:$0x1] =	stream.linear.gather [hbm4b:s20+s18], $0x5000, $0x38;
	[tilespmem:$0xFC00] =	vst v63  }
0x10: {  	_ =	swait.ge [sflag:s12], $0x5000  }
0x11: {  	[sflag:s12] =	ssyncset.done $0x0  }
0x12: {  	s30 =	sadd.s32 s3, s19;
	[sflag:s12] =	ssyncadd.s32 $0xFFFFB000  }
0x13: {  	[tilespmem:s8], [sflag:$0x1] =	stream.linear.gather [hbm4b:s30+s18], $0x5000, $0x38;
	[tilespmem:$0xFC00] =	vst v63  }
0x14: {  	_ =	swait.ge [sflag:s12], $0x5000  }
0x15: {  	[sflag:s12] =	ssyncset.done $0x0  }
0x16: {  	s19 =	sadd.s32 s5, s19;
	[sflag:s12] =	ssyncadd.s32 $0xFFFFB000  }
0x17: {  	[tilespmem:s9], [sflag:$0x1] =	stream.linear.gather [hbm4b:s19+s18], $0x5000, $0x38;
	[tilespmem:$0xFC00] =	vst v63  }
0x18: {  	_ =	swait.ge [sflag:s12], $0x5000  }
0x19: {  	s31 =	sshll.u32 s17, $0x8;
	[sflag:s12] =	ssyncset.done $0x0  }
0x1a: {  	s19 =	sadd.s32 s6, s31;
	[sflag:s12] =	ssyncadd.s32 $0xFFFFB000  }
0x1b: {  	[tilespmem:s13], [sflag:$0x1] =	stream.linear.gather [hbm4b:s19+s18], $0x800, $0x38;
	[tilespmem:$0xFC00] =	vst v63  }
0x1c: {  	_ =	swait.ge [sflag:s12], $0x800  }
0x1d: {  	[sflag:s12] =	ssyncset.done $0x0  }
0x1e: {  	s19 =	simm.s32 $0x0;
	[sflag:s12] =	ssyncadd.s32 $0xFFFFF800  }
.LBB2_3:
0x1f: {  	s20 =	sshll.u32 s19, $0x7  }
0x20: {  	v11 =	vld [tilespmem:s20+$0xF000]  }
0x21: {  	v12 =	vld [tilespmem:s20+$0xF010];
	_ =	sdelay $0x1  }
0x22: {  	v13 =	vld [tilespmem:s20+$0xF020];
	_ =	sdelay $0x1  }
0x23: {  	v14 =	vld [tilespmem:s20+$0xF030]  }
0x24: {  	vm1 =	vgt.s32 v11, v12  }
0x25: {  	v15 =	vld [tilespmem:s20+$0xF040];
	v17 =	vsel vm1, v11, v12  }
0x26: {  	vm1 =	vgt.s32 v17, v13  }
0x27: {  	v16 =	vld [tilespmem:s20+$0xF050];
	v18 =	vsel vm1, v17, v13  }
0x28: {  	vm1 =	vgt.s32 v18, v14  }
0x29: {  	v17 =	vld [tilespmem:s20+$0xF060];
	v19 =	vsel vm1, v18, v14  }
0x2a: {  	vm1 =	vgt.s32 v19, v15  }
0x2b: {  	v18 =	vld [tilespmem:s20+$0xF070];
	v20 =	vsel vm1, v19, v15  }
0x2c: {  	vm1 =	vgt.s32 v20, v16  }
0x2d: {  	v19 =	vld [tilespmem:s20+$0xF400];
	v21 =	vsel vm1, v20, v16  }
0x2e: {  	vm1 =	vgt.s32 v21, v17  }
0x2f: {  	v20 =	vld [tilespmem:s20+$0xF410];
	v21 =	vsel vm1, v21, v17  }
0x30: {  	vm1 =	vgt.s32 v21, v18  }
0x31: {  	v21 =	vsel vm1, v21, v18  }
0x32: {  	vm1 =	vgt.s32 v21, v19  }
0x33: {  	v21 =	vsel vm1, v21, v19  }
0x34: {  	vm1 =	vgt.s32 v21, v20  }
0x35: {  	v21 =	vsel vm1, v21, v20  }
0x36: {  	v21 =	vxor.u32 $0x80000000, v21  }
0x37: {  	(xrf0) =	vmax.scan.msk.u32 $0xffff, v21;
	_ =	sdelay $0x5  }
0x38: {  	v21, _, _ =	vpop (xrf0)  }
0x39: {  	(v2sf) =	vpush v21, $0xF;
	_ =	sdelay $0xe  }
0x3a: {  	s21 =	spop (v2sf)  }
0x3b: {  	s23 =	sxor.u32 $0x80000000, s21  }
0x3c: {  	vm1 =	veq.s32 v20, s23  }
0x3d: {  	vm2 =	veq.s32 v19, s23;
	v21 =	vnsel vm1, $0xC0000000, v1  }
0x3e: {  	vm1 =	veq.s32 v18, s23;
	v21 =	vsel vm2, v2, v21  }
0x3f: {  	vm2 =	veq.s32 v17, s23;
	v21 =	vsel vm1, v3, v21  }
0x40: {  	vm1 =	veq.s32 v16, s23;
	v21 =	vsel vm2, v4, v21  }
0x41: {  	vm2 =	veq.s32 v15, s23;
	v21 =	vsel vm1, v5, v21  }
0x42: {  	vm1 =	veq.s32 v14, s23;
	v21 =	vsel vm2, v6, v21  }
0x43: {  	vm2 =	veq.s32 v13, s23;
	v21 =	vsel vm1, v7, v21  }
0x44: {  	vm1 =	veq.s32 v12, s23;
	v21 =	vsel vm2, v8, v21  }
0x45: {  	vm2 =	veq.s32 v11, s23;
	v21 =	vsel vm1, v9, v21  }
0x46: {  	v21 =	vsel vm2, v10, v21  }
0x47: {  	(xrf0) =	vmin.scan.msk.u32 $0xffff, v21;
	_ =	sdelay $0x5  }
0x48: {  	v21, _, _ =	vpop (xrf0)  }
0x49: {  	(v2sf) =	vpush v21, $0xF;
	_ =	sdelay $0xe  }
0x4a: {  	s24 =	spop (v2sf)  }
0x4b: {  	s25 =	sshll.u32 s24, $0x4;
	s22 =	sshll.u32 s24, $0x7  }
0x4c: {  	s26 =	sand.u32 $0x70, s25;
	s22 =	sand.u32 $0xFFFFFC00, s22  }
0x4d: {  	s22 =	sor.u32 s22, s26  }
0x4e: {  	s22 =	sor.u32 s20, s22  }
0x4f: {  	v22 =	vld [tilespmem:s22+$0x0];
	_ =	sdelay $0x4  }
0x50: {  	vm1 =	veq.s32 v22, s23  }
0x51: {  	v21 =	vnsel vm1, $0xC0000000, v10  }
0x52: {  	(xrf0) =	vmin.scan.msk.u32 $0xffff, v21;
	_ =	sdelay $0x5  }
0x53: {  	v21, _, _ =	vpop (xrf0)  }
0x54: {  	(v2sf) =	vpush v21, $0xF;
	_ =	sdelay $0x7  }
0x55: {  	s29 =	sand.u32 $0x3FFFFF80, s20  }
0x56: {  	s23 =	sadd.s32 $0xF800, s29  }
0x57: {  	v21 =	vmov s23;
	_ =	sdelay $0x3  }
0x58: {  	s30 =	sand.u32 $0x30, s18  }
0x59: {  	v23 =	vld.idx.msk [tilespmem:v21+s30+$0x0 ss:$0x1], $0xffff;
	s31 =	spop (v2sf)  }
0x5a: {  	s25 =	sadd.s32 s25, s31  }
0x5b: {  	s28 =	sand.u32 $0xF, s18;
	s21 =	sand.u32 $0x7, s21;
	s25 =	sshll.u32 s25, $0x3  }
0x5c: {  	v24 =	vmov s28;
	s21 =	sor.u32 s25, s21  }
0x5d: {  	vm1 =	veq.s32 v24, v0;
	s21 =	sxor.u32 $0x7, s21  }
0x5e: {  	v23 =	vsel vm1, s21, v23  }
0x5f: {  	[tilespmem:v21+s30+$0x0 ss:$0x1] =	vst.idx.msk $0xffff, v23  }
0x60: {  	v23 =	vld [tilespmem:s22+$0x5000]  }
0x61: {  	v63 =	vld [tilespmem:s22+$0xA000];
	_ =	sdelay $0x3  }
0x62: {  	s26 =	sxor.u32 $0x80000000, s31;
	vm1 =	veq.s32 v22, v23  }
0x63: {  	v25 =	vmov s26;
	vm2 =	veq.s32 v22, v63;
	v23 =	vsel vm1, v63, v23  }
0x64: {  	vm1 =	veq.s32 v25, v0;
	v23 =	vsel vm2, $0x80000000, v23  }
0x65: {  	v22 =	vsel vm1, v23, v22  }
0x66: {  	v23 =	vxor.u32 $0x80000000, v22  }
0x67: {  	(xrf0) =	vmax.scan.msk.u32 $0xffff, v23;
	_ =	sdelay $0x4  }
0x68: {  	s28 =	sxor.u32 $0x80000000, s24  }
0x69: {  	s29 =	sshra.s32 s28, $0x1F;
	v23, _, _ =	vpop (xrf0)  }
0x6a: {  	s23 =	sshrl.u32 s29, $0x1C;
	(v2sf) =	vpush v23, $0xF  }
0x6b: {  	s23 =	sadd.s32 s23, s28  }
0x6c: {  	p0 =	sgt.s32 s24, $0xFFFFFFFF;
	p1 =	slt.s32 s28, $0x1;
	s30 =	sand.u32 $0xFFFFFFF0, s23  }
0x6d: {  	p0 =	por p0, p1;
	p6 =	sne.s32 s28, s30  }
0x6e: {  	p0 =	por !p0, !p6  }
0x6f: {  	s21 =	simm.s32 $0x1;
	p0 =	por !p0, !p0  }
0x70: {  	vm5 =	vmmov vm0;
	vm6 =	vmmov vm0;
	s23 =	sshra.s32 s23, $0x4;
	s21 =	simm.s32 @!p0 $0x0  }
0x71: {  	vm7 =	vmmov vm0;
	vm3 =	vmmov vm0;
	vm4 =	vmmov vm0;
	s21 =	ssub.s32 s23, s21  }
0x72: {  	vm8 =	vmmov vm0;
	vm12 =	vmmov vm0;
	vm13 =	vmmov vm0;
	p0 =	seq.s32 s21, $0x0;
	p1 =	seq.s32 s21, $0x1  }
0x73: {  	s24 =	sand.u32 $0xF, s24;
	p2 =	seq.s32 s21, $0x3;
	vm5 =	vmneg @p0 vm5;
	vm6 =	vmneg @p1 vm6;
	p0 =	seq.s32 s21, $0x2;
	vm1 =	vmmov vm0  }
0x74: {  	vm7 =	vmneg @p2 vm7;
	p1 =	seq.s32 s21, $0x5;
	vm1 =	vmneg @p0 vm1;
	p0 =	seq.s32 s21, $0x8;
	v23 =	vmov s24  }
0x75: {  	p2 =	seq.s32 s21, $0x4;
	vm3 =	vmneg @p1 vm3;
	vm4 =	vmneg @p0 vm4;
	p0 =	seq.s32 s21, $0x7;
	vm11 =	veq.s32 v23, v0  }
0x76: {  	vm8 =	vmneg @p2 vm8;
	vm12 =	vmneg @p0 vm12;
	vm2 =	vmand vm11, vm1  }
0x77: {  	p1 =	seq.s32 s21, $0x6;
	vm1 =	vmand vm11, vm3;
	vm3 =	vmmov vm0;
	vm4 =	vmand vm11, vm4  }
0x78: {  	vm9 =	vmand vm11, vm8;
	vm10 =	vmand vm11, vm7;
	vm3 =	vmneg @p1 vm3;
	p1 =	seq.s32 s21, $0x9  }
0x79: {  	vm8 =	vmand vm11, vm12;
	vm5 =	vmand vm11, vm5;
	vm13 =	vmneg @p1 vm13;
	s31 =	spop (v2sf)  }
0x7a: {  	[tilespmem:s22+$0x0] =	vst v22;
	vm6 =	vmand vm11, vm6;
	s21 =	simm.s32 $0x1;
	vm3 =	vmand vm11, vm3;
	vm7 =	vmand vm11, vm13;
	s23 =	sxor.u32 $0x80000000, s31  }
.LBB2_4:
0x7b: {  	p0 =	sne.s32 s21, $0x3F;
	v11 =	vsel vm5, s23, v11;
	v12 =	vsel vm6, s23, v12;
	v20 =	vsel vm7, s23, v20;
	s22 =	smov.u32 s21;
	s21 =	sadd.s32 $0x1, s21  }
0x7c: {  	v13 =	vsel vm2, s23, v13;
	v14 =	vsel vm10, s23, v14;
	v19 =	vsel vm4, s23, v19  }
0x7d: {  	v16 =	vsel vm1, s23, v16;
	v18 =	vsel vm8, s23, v18;
	vm2 =	vgt.s32 v11, v12  }
0x7e: {  	v15 =	vsel vm9, s23, v15;
	v17 =	vsel vm3, s23, v17;
	v22 =	vsel vm2, v11, v12  }
0x7f: {  	vm1 =	vgt.s32 v22, v13  }
0x80: {  	v22 =	vsel vm1, v22, v13  }
0x81: {  	vm1 =	vgt.s32 v22, v14  }
0x82: {  	v22 =	vsel vm1, v22, v14  }
0x83: {  	vm1 =	vgt.s32 v22, v15  }
0x84: {  	v22 =	vsel vm1, v22, v15  }
0x85: {  	vm1 =	vgt.s32 v22, v16  }
0x86: {  	v22 =	vsel vm1, v22, v16  }
0x87: {  	vm1 =	vgt.s32 v22, v17  }
0x88: {  	v22 =	vsel vm1, v22, v17  }
0x89: {  	vm1 =	vgt.s32 v22, v18  }
0x8a: {  	v22 =	vsel vm1, v22, v18  }
0x8b: {  	vm1 =	vgt.s32 v22, v19  }
0x8c: {  	v22 =	vsel vm1, v22, v19  }
0x8d: {  	vm1 =	vgt.s32 v22, v20  }
0x8e: {  	v22 =	vsel vm1, v22, v20  }
0x8f: {  	v22 =	vxor.u32 $0x80000000, v22  }
0x90: {  	(xrf0) =	vmax.scan.msk.u32 $0xffff, v22;
	_ =	sdelay $0x5  }
0x91: {  	v22, _, _ =	vpop (xrf0)  }
0x92: {  	(v2sf) =	vpush v22, $0xF;
	_ =	sdelay $0xe  }
0x93: {  	s23 =	spop (v2sf)  }
0x94: {  	s26 =	sxor.u32 $0x80000000, s23  }
0x95: {  	vm1 =	veq.s32 v20, s26  }
0x96: {  	vm2 =	veq.s32 v19, s26;
	v22 =	vnsel vm1, $0xC0000000, v1  }
0x97: {  	vm1 =	veq.s32 v18, s26;
	v22 =	vsel vm2, v2, v22  }
0x98: {  	vm2 =	veq.s32 v17, s26;
	v22 =	vsel vm1, v3, v22  }
0x99: {  	vm1 =	veq.s32 v16, s26;
	v22 =	vsel vm2, v4, v22  }
0x9a: {  	vm2 =	veq.s32 v15, s26;
	v22 =	vsel vm1, v5, v22  }
0x9b: {  	vm1 =	veq.s32 v14, s26;
	v22 =	vsel vm2, v6, v22  }
0x9c: {  	vm2 =	veq.s32 v13, s26;
	v22 =	vsel vm1, v7, v22  }
0x9d: {  	vm1 =	veq.s32 v12, s26;
	v22 =	vsel vm2, v8, v22  }
0x9e: {  	vm2 =	veq.s32 v11, s26;
	v22 =	vsel vm1, v9, v22  }
0x9f: {  	v22 =	vsel vm2, v10, v22  }
0xa0: {  	(xrf0) =	vmin.scan.msk.u32 $0xffff, v22;
	_ =	sdelay $0x5  }
0xa1: {  	v22, _, _ =	vpop (xrf0)  }
0xa2: {  	(v2sf) =	vpush v22, $0xF;
	_ =	sdelay $0xe  }
0xa3: {  	s28 =	spop (v2sf)  }
0xa4: {  	s29 =	sxor.u32 $0x80000000, s28;
	s25 =	sshll.u32 s28, $0x4;
	s24 =	sshll.u32 s28, $0x7  }
0xa5: {  	s30 =	sand.u32 $0x70, s25;
	s24 =	sand.u32 $0xFFFFFC00, s24;
	s31 =	sshra.s32 s29, $0x1F  }
0xa6: {  	p1 =	sgt.s32 s28, $0xFFFFFFFF;
	s24 =	sor.u32 s24, s30;
	s30 =	sshrl.u32 s31, $0x1C  }
0xa7: {  	p2 =	slt.s32 s29, $0x1;
	s24 =	sor.u32 s20, s24;
	s30 =	sadd.s32 s30, s29  }
0xa8: {  	v22 =	vld [tilespmem:s24+$0x0];
	s31 =	sand.u32 $0xFFFFFFF0, s30  }
0xa9: {  	s28 =	sand.u32 $0xF, s28;
	p1 =	por p1, p2;
	p2 =	sne.s32 s29, s31  }
0xaa: {  	p1 =	por !p1, !p2  }
0xab: {  	s29 =	sshra.s32 s30, $0x4;
	s30 =	simm.s32 $0x1;
	p1 =	por !p1, !p1  }
0xac: {  	vm5 =	vmmov vm0;
	vm6 =	vmmov vm0;
	s30 =	simm.s32 @!p1 $0x0  }
0xad: {  	vm8 =	vmmov vm0;
	v24 =	vmov s28;
	vm1 =	veq.s32 v22, s26;
	s26 =	ssub.s32 s29, s30  }
0xae: {  	vm3 =	vmmov vm0;
	vm7 =	veq.s32 v24, v0;
	v23 =	vnsel vm1, $0xC0000000, v10;
	p2 =	seq.s32 s26, $0x1;
	p3 =	seq.s32 s26, $0x3  }
0xaf: {  	p1 =	seq.s32 s26, $0x0;
	vm1 =	vmmov vm0;
	vm6 =	vmneg @p2 vm6;
	p2 =	seq.s32 s26, $0x2;
	vm8 =	vmneg @p3 vm8;
	p3 =	seq.s32 s26, $0x5  }
0xb0: {  	vm5 =	vmneg @p1 vm5;
	p1 =	seq.s32 s26, $0x9;
	(xrf0) =	vmin.scan.msk.u32 $0xffff, v23;
	vm1 =	vmneg @p2 vm1;
	vm3 =	vmneg @p3 vm3  }
0xb1: {  	p4 =	seq.s32 s26, $0x6;
	p5 =	seq.s32 s26, $0x8;
	p2 =	seq.s32 s26, $0x7;
	vm2 =	vmand vm7, vm1;
	vm1 =	vmand vm7, vm3;
	vm3 =	vmmov vm0  }
0xb2: {  	vm9 =	vmmov vm0;
	p3 =	seq.s32 s26, $0x4;
	vm3 =	vmneg @p5 vm3  }
0xb3: {  	vm9 =	vmneg @p4 vm9;
	vm4 =	vmand vm7, vm3  }
0xb4: {  	vm3 =	vmand vm7, vm9;
	_ =	sdelay $0x1  }
0xb5: {  	v23, _, _ =	vpop (xrf0)  }
0xb6: {  	(v2sf) =	vpush v23, $0xF;
	_ =	sdelay $0xc  }
0xb7: {  	s26 =	sand.u32 $0x30, s22  }
0xb8: {  	v23 =	vld.idx.msk [tilespmem:v21+s26+$0x0 ss:$0x1], $0xffff  }
0xb9: {  	s28 =	spop (v2sf)  }
0xba: {  	s29 =	sxor.u32 $0x80000000, s28;
	s25 =	sadd.s32 s25, s28  }
0xbb: {  	s23 =	sand.u32 $0x7, s23;
	s22 =	sand.u32 $0xF, s22;
	s25 =	sshll.u32 s25, $0x3;
	v24 =	vmov s29  }
0xbc: {  	v25 =	vmov s22;
	s23 =	sor.u32 s25, s23  }
0xbd: {  	vm9 =	veq.s32 v25, v0;
	s22 =	sxor.u32 $0x7, s23  }
0xbe: {  	v23 =	vsel vm9, s22, v23  }
0xbf: {  	[tilespmem:v21+s26+$0x0 ss:$0x1] =	vst.idx.msk $0xffff, v23  }
0xc0: {  	v23 =	vld [tilespmem:s24+$0x5000]  }
0xc1: {  	v25 =	vld [tilespmem:s24+$0xA000];
	_ =	sdelay $0x3  }
0xc2: {  	vm9 =	veq.s32 v22, v23  }
0xc3: {  	vm10 =	veq.s32 v22, v25;
	v23 =	vsel vm9, v25, v23  }
0xc4: {  	vm9 =	veq.s32 v24, v0;
	v23 =	vsel vm10, $0x80000000, v23  }
0xc5: {  	v22 =	vsel vm9, v23, v22  }
0xc6: {  	[tilespmem:s24+$0x0] =	vst v22;
	v22 =	vxor.u32 $0x80000000, v22  }
0xc7: {  	(xrf0) =	vmax.scan.msk.u32 $0xffff, v22;
	_ =	sdelay $0x5  }
0xc8: {  	v22, _, _ =	vpop (xrf0)  }
0xc9: {  	(v2sf) =	vpush v22, $0xF;
	_ =	sdelay $0xb  }
.Ltmp0:
0xca: {  	vm11 =	vmmov vm0;
	vm9 =	vmmov vm0;
	(pc) =	sbr.rel @p0 .LBB2_4-.Ltmp0, $4  }
0xcb: {  	vm11 =	vmneg @p2 vm11;
	vm10 =	vmand vm7, vm8;
	vm9 =	vmneg @p3 vm9  }
0xcc: {  	vm8 =	vmand vm7, vm11;
	vm11 =	vmmov vm0;
	vm9 =	vmand vm7, vm9  }
0xcd: {  	vm11 =	vmneg @p1 vm11;
	s22 =	spop (v2sf)  }
0xce: {  	vm5 =	vmand vm7, vm5;
	vm6 =	vmand vm7, vm6;
	vm7 =	vmand vm7, vm11;
	s23 =	sxor.u32 $0x80000000, s22  }
0xcf: {  	s19 =	sadd.s32 $0x1, s19  }
0xd0: {  	p0 =	sne.s32 s19, $0x8  }
.Ltmp1:
0xd1: {  	_ = 	snop;
	(pc) =	sbr.rel @p0 .LBB2_3-.Ltmp1, $1  }
0xd2: {  	_ =	sdelay $0x3  }
0xd3: {  	s16 =	sadd.s32 $0x1, s16  }
0xd4: {  	s17 =	sshll.u32 s17, $0x7;
	p0 =	sne.s32 s16, $0x8  }
.Ltmp2:
0xd5: {  	s17 =	sadd.s32 s7, s17;
	(pc) =	sbr.rel @p0 .LBB2_2-.Ltmp2, $4  }
0xd6: {  	[hbm4b:s17+s1] =	stream.linear.scatter [tilespmem:s14], [sflag:$0x1], $0x400, $0x38;
	[tilespmem:$0xFC00] =	vst v63  }
0xd7: {  	_ =	swait.ge [sflag:s12], $0x400  }
0xd8: {  	[sflag:s12] =	ssyncset.done $0x0  }
0xd9: {  	[sflag:s12] =	ssyncadd.s32 $0xFFFFFC00  }
0xda: {  	s15 =	sadd.s32 $0x1, s15  }
0xdb: {  	p0 =	sne.s32 s15, s11  }
.Ltmp3:
0xdc: {  	_ = 	snop;
	(pc) =	sbr.rel @p0 .LBB2_1-.Ltmp3, $1  }
0xdd: {  	_ =	sdelay $0x3  }
0xde: {  	_ =	sfence.sel $0x180000  }
0xdf: {  	[bflag:$0x0] =	sbarrier.arrive $0xFFFF  }
0xe0: {  	p0 =	sne.s32 s4, $0x0;
	_ =	strace $0x90000053  }
0xe1: {  	s0 =	sadd.s32 @!p0 $0x100000, s0;
	[bflag:$0x2] =	sbarrier.arrive $0xFFFF  }
0xe2: {  	[sflag:s0] =	ssyncadd.tile.s32 @!p0 $0x1;
	_ =	shalt  }
.Lfunc_end2:
_tile_overlayer_lowered:
.L_overlay_start_2:
0xe3: {  	(tag) =	ssettag $0x2  }
0xe4: {  	s0 =	rddreg [dreg:$0x0];
	s2 =	stileid.u32  }
0xe5: {  	s1 =	rddreg [dreg:$0x1];
	p0 =	sne.s32 s2, $0x0  }
0xe6: {  	s3 =	rddreg [dreg:$0x2];
	[bflag:$0x3] =	sbarrier.arrive $0xFFFF;
	s2 =	simm.s32 @!p0 $0x1C01  }
0xe7: {  	[timem:s3], [sflag:s2] =	dma.local @!p0 [hbm:s0], s1  }
0xe8: {  	s0 =	simm.s32 @!p0 $0x1  }
0xe9: {  	_ =	swait.ge @!p0 [sflag:s0], s1  }
0xea: {  	s1 =	ssub.s32 @!p0 $0x0, s1;
	[sflag:s0] =	ssyncset.done @!p0 $0x0  }
0xeb: {  	[sflag:s0] =	ssyncadd.s32 @!p0 s1  }
0xec: {  	[bflag:$0x3] =	sbarrier.arrive $0xFFFF  }
0xed: {  	_ =	shalt  }

</sc_bundles>
